<compile_context>
chip_gen: v7x
topology: tpu7x:2x2x1
jax: 0.10.2.dev20260603
libtpu: 0.0.44.dev20260713+nightly
codegen_flags: <defaults>
</compile_context>

<pallas_src>
import functools

import jax
import jax.numpy as jnp
from jax import lax
from jax.experimental import pallas as pl
from jax.experimental.pallas import tpu as pltpu
from jax.experimental.pallas import tpu_sc as plsc

NUM_GRAPHS = 256

try:
    _info = plsc.get_sparse_core_info()
    _NC, _NS, _L = _info.num_cores, _info.num_subcores, _info.num_lanes
except Exception:
    _NC, _NS, _L = 2, 16, 16
_NW = _NC * _NS

_SC_PARAMS = pltpu.CompilerParams(needs_layout_passes=False)


def _worker_id():
    return lax.axis_index("s") * _NC + lax.axis_index("c")


def _make_edge_kernel(N, N_pad, E, CH):
    NCHT = E // CH
    NV = CH // _L
    mesh = plsc.VectorSubcoreMesh(core_axis_name="c", subcore_axis_name="s")

    @functools.partial(
        pl.kernel, mesh=mesh,
        out_type=(
            jax.ShapeDtypeStruct((_NW, N_pad), jnp.float32),
            jax.ShapeDtypeStruct((E,), jnp.float32),
        ),
        scratch_types=[
            pltpu.VMEM((N_pad,), jnp.float32),
            pltpu.VMEM((2, CH), jnp.int32),
            pltpu.VMEM((2, CH), jnp.int32),
            pltpu.VMEM((CH,), jnp.float32),
            pltpu.VMEM((CH,), jnp.float32),
            pltpu.SemaphoreType.DMA,
            pltpu.SemaphoreType.DMA,
            pltpu.SemaphoreType.DMA,
            pltpu.SemaphoreType.DMA,
            pltpu.SemaphoreType.DMA,
        ],
        compiler_params=_SC_PARAMS,
    )
    def edge_k(x_hbm, edge_hbm, part_hbm, vals_hbm, big, e0, e1, v0, v1,
               sem_x, sem_e0, sem_e1, sem_v0, sem_v1):
        wid = _worker_id()
        cnt = (NCHT - wid + _NW - 1) // _NW

        def col(j):
            return (wid + j * _NW) * CH

        pltpu.async_copy(x_hbm, big.at[pl.ds(0, N)], sem_x)
        pltpu.async_copy(edge_hbm.at[:, pl.ds(col(0), CH)], e0, sem_e0)
        pltpu.make_async_copy(x_hbm, big.at[pl.ds(0, N)], sem_x).wait()

        def gather_chunk(ebuf, vbuf):
            @plsc.parallel_loop(0, NV, unroll=8)
            def _(i):
                idx = ebuf[0, pl.ds(i * _L, _L)]
                vbuf[pl.ds(i * _L, _L)] = plsc.load_gather(big, [idx])

        def g_pair(p, carry):
            j0 = 2 * p
            j1 = j0 + 1

            @pl.when(j1 < cnt)
            def _():
                pltpu.async_copy(edge_hbm.at[:, pl.ds(col(j1), CH)], e1,
                                 sem_e1)
            pltpu.make_async_copy(edge_hbm.at[:, pl.ds(col(j0), CH)], e0,
                                  sem_e0).wait()
            @pl.when(j0 >= 2)
            def _():
                pltpu.make_async_copy(v0, vals_hbm.at[pl.ds(col(j0), CH)],
                                      sem_v0).wait()
            gather_chunk(e0, v0)
            pltpu.async_copy(v0, vals_hbm.at[pl.ds(col(j0), CH)], sem_v0)

            @pl.when(j0 + 2 < cnt)
            def _():
                pltpu.async_copy(edge_hbm.at[:, pl.ds(col(j0 + 2), CH)], e0,
                                 sem_e0)

            @pl.when(j1 < cnt)
            def _():
                pltpu.make_async_copy(edge_hbm.at[:, pl.ds(col(j1), CH)], e1,
                                      sem_e1).wait()
                @pl.when(j1 >= 2)
                def _():
                    pltpu.make_async_copy(
                        v1, vals_hbm.at[pl.ds(col(j1), CH)], sem_v1).wait()
                gather_chunk(e1, v1)
                pltpu.async_copy(v1, vals_hbm.at[pl.ds(col(j1), CH)], sem_v1)
            return carry

        lax.fori_loop(0, (cnt + 1) // 2, g_pair, 0)
        pltpu.make_async_copy(v0, vals_hbm.at[pl.ds(0, CH)], sem_v0).wait()

        @pl.when(cnt >= 2)
        def _():
            pltpu.make_async_copy(v1, vals_hbm.at[pl.ds(0, CH)], sem_v1).wait()

        pltpu.async_copy(edge_hbm.at[:, pl.ds(col(0), CH)], e0, sem_e0)
        pltpu.async_copy(vals_hbm.at[pl.ds(col(0), CH)], v0, sem_v0)

        def zero(i, c):
            for k in range(8):
                big[pl.ds(i * 8 * _L + k * _L, _L)] = jnp.zeros(
                    (_L,), jnp.float32)
            return c

        lax.fori_loop(0, N_pad // (8 * _L), zero, 0)

        def scatter_chunk(ebuf, vbuf):
            @plsc.parallel_loop(0, NV, unroll=8)
            def _(i):
                idx = ebuf[1, pl.ds(i * _L, _L)]
                v = vbuf[pl.ds(i * _L, _L)]
                plsc.addupdate_scatter(big, [idx], v)

        def s_pair(p, carry):
            j0 = 2 * p
            j1 = j0 + 1

            @pl.when(j1 < cnt)
            def _():
                pltpu.async_copy(edge_hbm.at[:, pl.ds(col(j1), CH)], e1,
                                 sem_e1)
                pltpu.async_copy(vals_hbm.at[pl.ds(col(j1), CH)], v1, sem_v1)
            pltpu.make_async_copy(edge_hbm.at[:, pl.ds(col(j0), CH)], e0,
                                  sem_e0).wait()
            pltpu.make_async_copy(vals_hbm.at[pl.ds(col(j0), CH)], v0,
                                  sem_v0).wait()
            scatter_chunk(e0, v0)

            @pl.when(j0 + 2 < cnt)
            def _():
                pltpu.async_copy(edge_hbm.at[:, pl.ds(col(j0 + 2), CH)], e0,
                                 sem_e0)
                pltpu.async_copy(vals_hbm.at[pl.ds(col(j0 + 2), CH)], v0,
                                 sem_v0)

            @pl.when(j1 < cnt)
            def _():
                pltpu.make_async_copy(edge_hbm.at[:, pl.ds(col(j1), CH)], e1,
                                      sem_e1).wait()
                pltpu.make_async_copy(vals_hbm.at[pl.ds(col(j1), CH)], v1,
                                      sem_v1).wait()
                scatter_chunk(e1, v1)
            return carry

        lax.fori_loop(0, (cnt + 1) // 2, s_pair, 0)
        pltpu.sync_copy(big, part_hbm.at[wid])

    return edge_k


def _tc_body(nblk, part_ref, x_ref, batch_ref, wl_ref, bl_ref, wr_ref,
             wlin_ref, blin_ref, out_ref, sums, counts):
    i = pl.program_id(0)

    @pl.when(i == 0)
    def _init():
        sums[...] = jnp.zeros_like(sums)
        counts[...] = jnp.zeros_like(counts)

    agg = jnp.sum(part_ref[...], axis=0)
    xb = x_ref[0, :]
    h = jnp.maximum(
        agg[:, None] * wl_ref[0, :][None, :]
        + xb[:, None] * wr_ref[0, :][None, :]
        + bl_ref[0, :][None, :], 0.0)
    bb = batch_ref[0, :]
    gid = lax.broadcasted_iota(jnp.int32, (NUM_GRAPHS, 1), 0)
    onehot = (bb[None, :] == gid).astype(jnp.bfloat16)
    sums[...] += jnp.dot(onehot, h.astype(jnp.bfloat16),
                         preferred_element_type=jnp.float32)
    cnt = jnp.sum(onehot.astype(jnp.float32), axis=1, keepdims=True)
    counts[...] += jnp.broadcast_to(cnt, counts.shape)

    @pl.when(i == nblk - 1)
    def _fin():
        pooled = sums[...] / jnp.maximum(counts[...], 1.0)
        out_ref[...] = (jnp.dot(pooled, wlin_ref[...],
                                preferred_element_type=jnp.float32)
                        + blin_ref[0, :][None, :])


def _make_tc(N_pad, H, OUT, B):
    nblk = N_pad // B
    return pl.pallas_call(
        functools.partial(_tc_body, nblk),
        grid=(nblk,),
        in_specs=[
            pl.BlockSpec((_NW, B), lambda i: (0, i)),
            pl.BlockSpec((1, B), lambda i: (0, i)),
            pl.BlockSpec((1, B), lambda i: (0, i)),
            pl.BlockSpec((1, H), lambda i: (0, 0)),
            pl.BlockSpec((1, H), lambda i: (0, 0)),
            pl.BlockSpec((1, H), lambda i: (0, 0)),
            pl.BlockSpec((H, OUT), lambda i: (0, 0)),
            pl.BlockSpec((1, OUT), lambda i: (0, 0)),
        ],
        out_specs=pl.BlockSpec((NUM_GRAPHS, OUT), lambda i: (0, 0)),
        out_shape=jax.ShapeDtypeStruct((NUM_GRAPHS, OUT), jnp.float32),
        scratch_shapes=[
            pltpu.VMEM((NUM_GRAPHS, H), jnp.float32),
            pltpu.VMEM((NUM_GRAPHS, H), jnp.float32),
        ],
    )


def kernel(x, edge_index, batch, W_l, b_l, W_r, W_lin, b_lin):
    N = x.shape[0]
    E = edge_index.shape[1]
    H = W_l.shape[0]
    OUT = W_lin.shape[0]
    CH = 3200
    B = 4096
    N_pad = -(-N // B) * B

    xf = x.reshape(N)
    partials, _vals = _make_edge_kernel(N, N_pad, E, CH)(xf, edge_index)
    x_pad = jnp.pad(x.reshape(1, N), ((0, 0), (0, N_pad - N)))
    batch_pad = jnp.pad(batch.reshape(1, N), ((0, 0), (0, N_pad - N)),
                        constant_values=NUM_GRAPHS)
    out = _make_tc(N_pad, H, OUT, B)(
        partials,
        x_pad,
        batch_pad,
        W_l.reshape(1, H),
        b_l.reshape(1, H),
        W_r.reshape(1, H),
        W_lin.T,
        b_lin.reshape(1, OUT),
    )
    return out

# --- scband reference (transcript-rebuilt; emitter-appended) ---
"""Pipeline reference for scband-model-27668179321530 (READ-ONLY COPY).

The authoritative reference and input builder live on the scoring server;
editing this copy changes nothing except your own understanding.
"""

import jax, jax.numpy as jnp
import numpy as np

N = 100000
E = 6400000
NUM_GRAPHS = 256
H = 128
OUT = 26

def setup_inputs(seed: int = 0) -> dict:
    key = jax.random.key(seed)
    ks = jax.random.split(key, 8)
    x = jax.random.normal(ks[0], (N, 1), dtype=jnp.float32)
    edge_index = jax.random.randint(ks[1], (2, E), 0, N, dtype=jnp.int32)
    batch = jnp.sort(jax.random.randint(ks[2], (N,), 0, NUM_GRAPHS, dtype=jnp.int32))
    # SAGEConv params: lin_l acts on aggregated neighbors (has bias), lin_r on root
    W_l = jax.random.normal(ks[3], (H, 1), dtype=jnp.float32) * 0.5
    b_l = jnp.zeros((H,), dtype=jnp.float32)
    W_r = jax.random.normal(ks[4], (H, 1), dtype=jnp.float32) * 0.5
    # final Linear(H -> 26)
    W_lin = jax.random.normal(ks[5], (OUT, H), dtype=jnp.float32) * (1.0 / np.sqrt(H))
    b_lin = jnp.zeros((OUT,), dtype=jnp.float32)
    return {"x": x, "edge_index": edge_index, "batch": batch,
            "W_l": W_l, "b_l": b_l, "W_r": W_r, "W_lin": W_lin, "b_lin": b_lin}

def reference(x, edge_index, batch, W_l, b_l, W_r, W_lin, b_lin):
    src = edge_index[0]
    dst = edge_index[1]
    # SAGEConv with aggr='sum': gather source features, scatter-add to dst
    msgs = jnp.take(x, src, axis=0)                      # [E, 1] gather
    agg = jax.ops.segment_sum(msgs, dst, num_segments=N)  # [N, 1] scatter-add
    h = agg @ W_l.T + b_l + x @ W_r.T                    # lin_l(agg) + lin_r(x)
    h = jax.nn.relu(h)
    # global_mean_pool over graph assignment `batch`
    sums = jax.ops.segment_sum(h, batch, num_segments=NUM_GRAPHS)            # [G, H]
    counts = jax.ops.segment_sum(jnp.ones((N, 1), dtype=h.dtype), batch,
                                 num_segments=NUM_GRAPHS)                    # [G, 1]
    pooled = sums / jnp.maximum(counts, 1.0)
    out = pooled @ W_lin.T + b_lin                        # [G, 26]
    return out

if __name__ == "__main__":
    import jax
    _d = setup_inputs()
    print(jax.jit(kernel)(*tuple(_d.values())))

</pallas_src>

<mosaic_0001>
#map = affine_map<(d0, d1) -> (0)>
#map1 = affine_map<(d0, d1) -> (0, 0)>
module attributes {stable_mosaic.version = 14 : i64} {
  func.func @edge_k(%arg0: i32, %arg1: i32, %arg2: memref<100000xf32, #tpu.memory_space<hbm>>, %arg3: memref<2x6400000xi32, #tpu.memory_space<hbm>>, %arg4: memref<32x102400xf32, #tpu.memory_space<hbm>>, %arg5: memref<6400000xf32, #tpu.memory_space<hbm>>, %arg6: memref<102400xf32, #tpu.memory_space<vmem>>, %arg7: memref<2x3200xi32, #tpu.memory_space<vmem>>, %arg8: memref<2x3200xi32, #tpu.memory_space<vmem>>, %arg9: memref<3200xf32, #tpu.memory_space<vmem>>, %arg10: memref<3200xf32, #tpu.memory_space<vmem>>, %arg11: memref<!tpu.dma_semaphore, #tpu.memory_space<semaphore_mem>>, %arg12: memref<!tpu.dma_semaphore, #tpu.memory_space<semaphore_mem>>, %arg13: memref<!tpu.dma_semaphore, #tpu.memory_space<semaphore_mem>>, %arg14: memref<!tpu.dma_semaphore, #tpu.memory_space<semaphore_mem>>, %arg15: memref<!tpu.dma_semaphore, #tpu.memory_space<semaphore_mem>>) attributes {dimension_semantics = [#tpu.dimension_semantics<core_parallel>, #tpu.dimension_semantics<subcore_parallel>], iteration_bounds = array<i64: 2, 16>, scalar_prefetch = 0 : i64, scratch_operands = 10 : i64, tpu.core_type = #tpu.core_type<sc_vector_subcore>, window_params = [{transform_indices = #map}, {transform_indices = #map1}, {transform_indices = #map1}, {transform_indices = #map}]} {
    %mul3A = arith.constant 2 : i32
    %mul3A_0 = arith.muli %arg1, %mul3A : i32
    %add3A = arith.addi %mul3A_0, %arg0 : i32
    %sub3A = arith.constant 2000 : i32
    %sub3A_1 = arith.subi %sub3A, %add3A : i32
    %add3A_2 = arith.constant 32 : i32
    %add3A_3 = arith.addi %sub3A_1, %add3A_2 : i32
    %sub3A_4 = arith.constant 1 : i32
    %sub3A_5 = arith.subi %add3A_3, %sub3A_4 : i32
    %jit3A = arith.constant 32 : i32
    %div3A = arith.divsi %sub3A_5, %jit3A : i32
    %sign3A = arith.constant 0 : i32
    %sign3A_6 = arith.cmpi sgt, %sub3A_5, %sign3A : i32
    %sign3A_7 = arith.extui %sign3A_6 : i1 to i32
    %sign3A_8 = arith.constant 0 : i32
    %sign3A_9 = arith.cmpi slt, %sub3A_5, %sign3A_8 : i32
    %sign3A_10 = arith.extui %sign3A_9 : i1 to i32
    %sign3A_11 = arith.subi %sign3A_7, %sign3A_10 : i32
    %sign3A_12 = arith.constant 0 : i32
    %sign3A_13 = arith.cmpi sgt, %jit3A, %sign3A_12 : i32
    %sign3A_14 = arith.extui %sign3A_13 : i1 to i32
    %sign3A_15 = arith.constant 0 : i32
    %sign3A_16 = arith.cmpi slt, %jit3A, %sign3A_15 : i32
    %sign3A_17 = arith.extui %sign3A_16 : i1 to i32
    %sign3A_18 = arith.subi %sign3A_14, %sign3A_17 : i32
    %ne3A = arith.cmpi ne, %sign3A_11, %sign3A_18 : i32
    %rem3A = arith.remsi %sub3A_5, %jit3A : i32
    %ne3A_19 = arith.constant 0 : i32
    %ne3A_20 = arith.cmpi ne, %rem3A, %ne3A_19 : i32
    %and3A = arith.andi %ne3A, %ne3A_20 : i1
    %sub3A_21 = arith.constant 1 : i32
    %sub3A_22 = arith.subi %div3A, %sub3A_21 : i32
    %select_n3A = arith.select %and3A, %sub3A_22, %div3A : i32
    %dma_start3A = arith.constant 0 : i32
    %dma_start3A_23 = tpu.memref_slice %arg6[%dma_start3A] : memref<102400xf32, #tpu.memory_space<vmem>> -> memref<100000xf32, #tpu.memory_space<vmem>>
    %dma_start3A_24 = arith.constant 0 : i32
    %dma_start3A_25 = tpu.memref_slice %arg6[%dma_start3A_24] : memref<102400xf32, #tpu.memory_space<vmem>> -> memref<100000xf32, #tpu.memory_space<vmem>>
    tpu.enqueue_dma source(%arg2 : memref<100000xf32, #tpu.memory_space<hbm>>) target(%dma_start3A_25 : memref<100000xf32, #tpu.memory_space<vmem>>) target_semaphore(%arg11 : memref<!tpu.dma_semaphore, #tpu.memory_space<semaphore_mem>>)
    %add3A_26 = arith.constant 0 : i32
    %add3A_27 = arith.addi %add3A, %add3A_26 : i32
    %mul3A_28 = arith.constant 3200 : i32
    %mul3A_29 = arith.muli %add3A_27, %mul3A_28 : i32
    %dma_start3A_30 = arith.constant 0 : i32
    %dma_start3A_31 = tpu.memref_slice %arg3[%dma_start3A_30, %mul3A_29] : memref<2x6400000xi32, #tpu.memory_space<hbm>> -> memref<2x3200xi32, #tpu.memory_space<hbm>>
    %dma_start3A_32 = arith.constant 0 : i32
    %dma_start3A_33 = tpu.memref_slice %arg3[%dma_start3A_32, %mul3A_29] : memref<2x6400000xi32, #tpu.memory_space<hbm>> -> memref<2x3200xi32, #tpu.memory_space<hbm>>
    tpu.enqueue_dma source(%dma_start3A_33 : memref<2x3200xi32, #tpu.memory_space<hbm>>) target(%arg7 : memref<2x3200xi32, #tpu.memory_space<vmem>>) target_semaphore(%arg12 : memref<!tpu.dma_semaphore, #tpu.memory_space<semaphore_mem>>)
    %dma_wait3A = arith.constant 0 : i32
    %dma_wait3A_34 = tpu.memref_slice %arg6[%dma_wait3A] : memref<102400xf32, #tpu.memory_space<vmem>> -> memref<100000xf32, #tpu.memory_space<vmem>>
    %dma_wait3A_35 = arith.constant 0 : i32
    %dma_wait3A_36 = tpu.memref_slice %arg6[%dma_wait3A_35] : memref<102400xf32, #tpu.memory_space<vmem>> -> memref<100000xf32, #tpu.memory_space<vmem>>
    tpu.wait_dma2 semaphore(%arg11 : memref<!tpu.dma_semaphore, #tpu.memory_space<semaphore_mem>>) src(%arg2 : memref<100000xf32, #tpu.memory_space<hbm>>) dst(%dma_wait3A_36 : memref<100000xf32, #tpu.memory_space<vmem>>)
    %add3A_37 = arith.constant 1 : i32
    %add3A_38 = arith.addi %select_n3A, %add3A_37 : i32
    %jit3A_39 = arith.constant 2 : i32
    %div3A_40 = arith.divsi %add3A_38, %jit3A_39 : i32
    %sign3A_41 = arith.constant 0 : i32
    %sign3A_42 = arith.cmpi sgt, %add3A_38, %sign3A_41 : i32
    %sign3A_43 = arith.extui %sign3A_42 : i1 to i32
    %sign3A_44 = arith.constant 0 : i32
    %sign3A_45 = arith.cmpi slt, %add3A_38, %sign3A_44 : i32
    %sign3A_46 = arith.extui %sign3A_45 : i1 to i32
    %sign3A_47 = arith.subi %sign3A_43, %sign3A_46 : i32
    %sign3A_48 = arith.constant 0 : i32
    %sign3A_49 = arith.cmpi sgt, %jit3A_39, %sign3A_48 : i32
    %sign3A_50 = arith.extui %sign3A_49 : i1 to i32
    %sign3A_51 = arith.constant 0 : i32
    %sign3A_52 = arith.cmpi slt, %jit3A_39, %sign3A_51 : i32
    %sign3A_53 = arith.extui %sign3A_52 : i1 to i32
    %sign3A_54 = arith.subi %sign3A_50, %sign3A_53 : i32
    %ne3A_55 = arith.cmpi ne, %sign3A_47, %sign3A_54 : i32
    %rem3A_56 = arith.remsi %add3A_38, %jit3A_39 : i32
    %ne3A_57 = arith.constant 0 : i32
    %ne3A_58 = arith.cmpi ne, %rem3A_56, %ne3A_57 : i32
    %and3A_59 = arith.andi %ne3A_55, %ne3A_58 : i1
    %sub3A_60 = arith.constant 1 : i32
    %sub3A_61 = arith.subi %div3A_40, %sub3A_60 : i32
    %select_n3A_62 = arith.select %and3A_59, %sub3A_61, %div3A_40 : i32
    %while3A = arith.constant 0 : i32
    %while3A_63 = arith.constant 0 : i32
    %while3A_64 = arith.subi %select_n3A_62, %while3A_63 : i32
    %while3A_65 = arith.addi %while3A_63, %while3A_64 : i32
    %while3A_66 = arith.constant 1 : i32
    %while3A_67 = arith.divsi %while3A_64, %while3A_66 : i32
    %while3A_68 = arith.muli %while3A_67, %while3A_66 : i32
    %while3A_69 = arith.addi %while3A_63, %while3A_68 : i32
    %while3A_70 = arith.constant 1 : i32
    scf.for %while3A_133 = %while3A_63 to %while3A_69 step %while3A_70  : i32 {
      %mul3A_134 = arith.constant 2 : i32
      %mul3A_135 = arith.muli %mul3A_134, %while3A_133 : i32
      %add3A_136 = arith.constant 1 : i32
      %add3A_137 = arith.addi %mul3A_135, %add3A_136 : i32
      %lt3A = arith.cmpi slt, %add3A_137, %select_n3A : i32
      %convert_element_type3A_138 = arith.extui %lt3A : i1 to i32
      %cond3A_139 = arith.constant 0 : i32
      %cond3A_140 = arith.cmpi ne, %convert_element_type3A_138, %cond3A_139 : i32
      scf.if %cond3A_140 {
        %mul3A_174 = arith.constant 32 : i32
        %mul3A_175 = arith.muli %add3A_137, %mul3A_174 : i32
        %add3A_176 = arith.addi %add3A, %mul3A_175 : i32
        %mul3A_177 = arith.constant 3200 : i32
        %mul3A_178 = arith.muli %add3A_176, %mul3A_177 : i32
        %dma_start3A_179 = arith.constant 0 : i32
        %dma_start3A_180 = tpu.memref_slice %arg3[%dma_start3A_179, %mul3A_178] : memref<2x6400000xi32, #tpu.memory_space<hbm>> -> memref<2x3200xi32, #tpu.memory_space<hbm>>
        %dma_start3A_181 = arith.constant 0 : i32
        %dma_start3A_182 = tpu.memref_slice %arg3[%dma_start3A_181, %mul3A_178] : memref<2x6400000xi32, #tpu.memory_space<hbm>> -> memref<2x3200xi32, #tpu.memory_space<hbm>>
        tpu.enqueue_dma source(%dma_start3A_182 : memref<2x3200xi32, #tpu.memory_space<hbm>>) target(%arg8 : memref<2x3200xi32, #tpu.memory_space<vmem>>) target_semaphore(%arg13 : memref<!tpu.dma_semaphore, #tpu.memory_space<semaphore_mem>>)
      } else {
      }
      %mul3A_141 = arith.constant 32 : i32
      %mul3A_142 = arith.muli %mul3A_135, %mul3A_141 : i32
      %add3A_143 = arith.addi %add3A, %mul3A_142 : i32
      %mul3A_144 = arith.constant 3200 : i32
      %mul3A_145 = arith.muli %add3A_143, %mul3A_144 : i32
      %dma_wait3A_146 = arith.constant 0 : i32
      %dma_wait3A_147 = tpu.memref_slice %arg3[%dma_wait3A_146, %mul3A_145] : memref<2x6400000xi32, #tpu.memory_space<hbm>> -> memref<2x3200xi32, #tpu.memory_space<hbm>>
      %dma_wait3A_148 = arith.constant 0 : i32
      %dma_wait3A_149 = tpu.memref_slice %arg3[%dma_wait3A_148, %mul3A_145] : memref<2x6400000xi32, #tpu.memory_space<hbm>> -> memref<2x3200xi32, #tpu.memory_space<hbm>>
      tpu.wait_dma2 semaphore(%arg12 : memref<!tpu.dma_semaphore, #tpu.memory_space<semaphore_mem>>) src(%dma_wait3A_149 : memref<2x3200xi32, #tpu.memory_space<hbm>>) dst(%arg7 : memref<2x3200xi32, #tpu.memory_space<vmem>>)
      %ge3A_150 = arith.constant 2 : i32
      %ge3A_151 = arith.cmpi sge, %mul3A_135, %ge3A_150 : i32
      %convert_element_type3A_152 = arith.extui %ge3A_151 : i1 to i32
      %cond3A_153 = arith.constant 0 : i32
      %cond3A_154 = arith.cmpi ne, %convert_element_type3A_152, %cond3A_153 : i32
      scf.if %cond3A_154 {
        %mul3A_174 = arith.constant 32 : i32
        %mul3A_175 = arith.muli %mul3A_135, %mul3A_174 : i32
        %add3A_176 = arith.addi %add3A, %mul3A_175 : i32
        %mul3A_177 = arith.constant 3200 : i32
        %mul3A_178 = arith.muli %add3A_176, %mul3A_177 : i32
        %dma_wait3A_179 = tpu.memref_slice %arg5[%mul3A_178] : memref<6400000xf32, #tpu.memory_space<hbm>> -> memref<3200xf32, #tpu.memory_space<hbm>>
        %dma_wait3A_180 = tpu.memref_slice %arg5[%mul3A_178] : memref<6400000xf32, #tpu.memory_space<hbm>> -> memref<3200xf32, #tpu.memory_space<hbm>>
        tpu.wait_dma2 semaphore(%arg14 : memref<!tpu.dma_semaphore, #tpu.memory_space<semaphore_mem>>) src(%arg9 : memref<3200xf32, #tpu.memory_space<vmem>>) dst(%dma_wait3A_180 : memref<3200xf32, #tpu.memory_space<hbm>>)
      } else {
      }
      %parallel_loop3A = arith.constant 0 : i32
      %parallel_loop3A_155 = arith.constant 200 : i32
      %parallel_loop3A_156 = arith.constant 1 : i32
      scf.for %parallel_loop3A_174 = %parallel_loop3A to %parallel_loop3A_155 step %parallel_loop3A_156  : i32 {
        %parallel_loop3A_175 = arith.constant 16 : i32
        %parallel_loop3A_176 = arith.muli %parallel_loop3A_174, %parallel_loop3A_175 : i32
        %parallel_loop3A_177 = arith.constant 0 : i32
        %parallel_loop3A_178 = arith.index_cast %parallel_loop3A_177 : i32 to index
        %parallel_loop3A_179 = arith.index_cast %parallel_loop3A_176 : i32 to index
        %parallel_loop3A_180 = tpu.vector_load %arg7[%parallel_loop3A_178, %parallel_loop3A_179] {strides = array<i32>} : memref<2x3200xi32, #tpu.memory_space<vmem>>, vector<16xi32>,
        %parallel_loop3A_181 = tpu.vector_load_idx %arg6[%parallel_loop3A_180] : memref<102400xf32, #tpu.memory_space<vmem>>[vector<16xi32>], vector<16xf32>,
        %parallel_loop3A_182 = arith.constant 16 : i32
        %parallel_loop3A_183 = arith.muli %parallel_loop3A_174, %parallel_loop3A_182 : i32
        %parallel_loop3A_184 = arith.index_cast %parallel_loop3A_183 : i32 to index
        %parallel_loop3A_185 = tpu.vector_load %arg9[%parallel_loop3A_184] {strides = array<i32>} : memref<3200xf32, #tpu.memory_space<vmem>>, vector<16xf32>,
        tpu.vector_store %arg9[%parallel_loop3A_184], %parallel_loop3A_181 {strides = array<i32>} : memref<3200xf32, #tpu.memory_space<vmem>>, vector<16xf32>,
      } {sc.loop_unroll_factor = 8 : i64, sc.parallel_access}
      %mul3A_157 = arith.constant 32 : i32
      %mul3A_158 = arith.muli %mul3A_135, %mul3A_157 : i32
      %add3A_159 = arith.addi %add3A, %mul3A_158 : i32
      %mul3A_160 = arith.constant 3200 : i32
      %mul3A_161 = arith.muli %add3A_159, %mul3A_160 : i32
      %dma_start3A_162 = tpu.memref_slice %arg5[%mul3A_161] : memref<6400000xf32, #tpu.memory_space<hbm>> -> memref<3200xf32, #tpu.memory_space<hbm>>
      %dma_start3A_163 = tpu.memref_slice %arg5[%mul3A_161] : memref<6400000xf32, #tpu.memory_space<hbm>> -> memref<3200xf32, #tpu.memory_space<hbm>>
      tpu.enqueue_dma source(%arg9 : memref<3200xf32, #tpu.memory_space<vmem>>) target(%dma_start3A_163 : memref<3200xf32, #tpu.memory_space<hbm>>) target_semaphore(%arg14 : memref<!tpu.dma_semaphore, #tpu.memory_space<semaphore_mem>>)
      %add3A_164 = arith.constant 2 : i32
      %add3A_165 = arith.addi %mul3A_135, %add3A_164 : i32
      %lt3A_166 = arith.cmpi slt, %add3A_165, %select_n3A : i32
      %convert_element_type3A_167 = arith.extui %lt3A_166 : i1 to i32
      %cond3A_168 = arith.constant 0 : i32
      %cond3A_169 = arith.cmpi ne, %convert_element_type3A_167, %cond3A_168 : i32
      scf.if %cond3A_169 {
        %add3A_174 = arith.constant 2 : i32
        %add3A_175 = arith.addi %mul3A_135, %add3A_174 : i32
        %mul3A_176 = arith.constant 32 : i32
        %mul3A_177 = arith.muli %add3A_175, %mul3A_176 : i32
        %add3A_178 = arith.addi %add3A, %mul3A_177 : i32
        %mul3A_179 = arith.constant 3200 : i32
        %mul3A_180 = arith.muli %add3A_178, %mul3A_179 : i32
        %dma_start3A_181 = arith.constant 0 : i32
        %dma_start3A_182 = tpu.memref_slice %arg3[%dma_start3A_181, %mul3A_180] : memref<2x6400000xi32, #tpu.memory_space<hbm>> -> memref<2x3200xi32, #tpu.memory_space<hbm>>
        %dma_start3A_183 = arith.constant 0 : i32
        %dma_start3A_184 = tpu.memref_slice %arg3[%dma_start3A_183, %mul3A_180] : memref<2x6400000xi32, #tpu.memory_space<hbm>> -> memref<2x3200xi32, #tpu.memory_space<hbm>>
        tpu.enqueue_dma source(%dma_start3A_184 : memref<2x3200xi32, #tpu.memory_space<hbm>>) target(%arg7 : memref<2x3200xi32, #tpu.memory_space<vmem>>) target_semaphore(%arg12 : memref<!tpu.dma_semaphore, #tpu.memory_space<semaphore_mem>>)
      } else {
      }
      %lt3A_170 = arith.cmpi slt, %add3A_137, %select_n3A : i32
      %convert_element_type3A_171 = arith.extui %lt3A_170 : i1 to i32
      %cond3A_172 = arith.constant 0 : i32
      %cond3A_173 = arith.cmpi ne, %convert_element_type3A_171, %cond3A_172 : i32
      scf.if %cond3A_173 {
        %mul3A_174 = arith.constant 32 : i32
        %mul3A_175 = arith.muli %add3A_137, %mul3A_174 : i32
        %add3A_176 = arith.addi %add3A, %mul3A_175 : i32
        %mul3A_177 = arith.constant 3200 : i32
        %mul3A_178 = arith.muli %add3A_176, %mul3A_177 : i32
        %dma_wait3A_179 = arith.constant 0 : i32
        %dma_wait3A_180 = tpu.memref_slice %arg3[%dma_wait3A_179, %mul3A_178] : memref<2x6400000xi32, #tpu.memory_space<hbm>> -> memref<2x3200xi32, #tpu.memory_space<hbm>>
        %dma_wait3A_181 = arith.constant 0 : i32
        %dma_wait3A_182 = tpu.memref_slice %arg3[%dma_wait3A_181, %mul3A_178] : memref<2x6400000xi32, #tpu.memory_space<hbm>> -> memref<2x3200xi32, #tpu.memory_space<hbm>>
        tpu.wait_dma2 semaphore(%arg13 : memref<!tpu.dma_semaphore, #tpu.memory_space<semaphore_mem>>) src(%dma_wait3A_182 : memref<2x3200xi32, #tpu.memory_space<hbm>>) dst(%arg8 : memref<2x3200xi32, #tpu.memory_space<vmem>>)
        %ge3A_183 = arith.constant 2 : i32
        %ge3A_184 = arith.cmpi sge, %add3A_137, %ge3A_183 : i32
        %convert_element_type3A_185 = arith.extui %ge3A_184 : i1 to i32
        %cond3A_186 = arith.constant 0 : i32
        %cond3A_187 = arith.cmpi ne, %convert_element_type3A_185, %cond3A_186 : i32
        scf.if %cond3A_187 {
          %mul3A_198 = arith.constant 32 : i32
          %mul3A_199 = arith.muli %add3A_137, %mul3A_198 : i32
          %add3A_200 = arith.addi %add3A, %mul3A_199 : i32
          %mul3A_201 = arith.constant 3200 : i32
          %mul3A_202 = arith.muli %add3A_200, %mul3A_201 : i32
          %dma_wait3A_203 = tpu.memref_slice %arg5[%mul3A_202] : memref<6400000xf32, #tpu.memory_space<hbm>> -> memref<3200xf32, #tpu.memory_space<hbm>>
          %dma_wait3A_204 = tpu.memref_slice %arg5[%mul3A_202] : memref<6400000xf32, #tpu.memory_space<hbm>> -> memref<3200xf32, #tpu.memory_space<hbm>>
          tpu.wait_dma2 semaphore(%arg15 : memref<!tpu.dma_semaphore, #tpu.memory_space<semaphore_mem>>) src(%arg10 : memref<3200xf32, #tpu.memory_space<vmem>>) dst(%dma_wait3A_204 : memref<3200xf32, #tpu.memory_space<hbm>>)
        } else {
        }
        %parallel_loop3A_188 = arith.constant 0 : i32
        %parallel_loop3A_189 = arith.constant 200 : i32
        %parallel_loop3A_190 = arith.constant 1 : i32
        scf.for %parallel_loop3A_198 = %parallel_loop3A_188 to %parallel_loop3A_189 step %parallel_loop3A_190  : i32 {
          %parallel_loop3A_199 = arith.constant 16 : i32
          %parallel_loop3A_200 = arith.muli %parallel_loop3A_198, %parallel_loop3A_199 : i32
          %parallel_loop3A_201 = arith.constant 0 : i32
          %parallel_loop3A_202 = arith.index_cast %parallel_loop3A_201 : i32 to index
          %parallel_loop3A_203 = arith.index_cast %parallel_loop3A_200 : i32 to index
          %parallel_loop3A_204 = tpu.vector_load %arg8[%parallel_loop3A_202, %parallel_loop3A_203] {strides = array<i32>} : memref<2x3200xi32, #tpu.memory_space<vmem>>, vector<16xi32>,
          %parallel_loop3A_205 = tpu.vector_load_idx %arg6[%parallel_loop3A_204] : memref<102400xf32, #tpu.memory_space<vmem>>[vector<16xi32>], vector<16xf32>,
          %parallel_loop3A_206 = arith.constant 16 : i32
          %parallel_loop3A_207 = arith.muli %parallel_loop3A_198, %parallel_loop3A_206 : i32
          %parallel_loop3A_208 = arith.index_cast %parallel_loop3A_207 : i32 to index
          %parallel_loop3A_209 = tpu.vector_load %arg10[%parallel_loop3A_208] {strides = array<i32>} : memref<3200xf32, #tpu.memory_space<vmem>>, vector<16xf32>,
          tpu.vector_store %arg10[%parallel_loop3A_208], %parallel_loop3A_205 {strides = array<i32>} : memref<3200xf32, #tpu.memory_space<vmem>>, vector<16xf32>,
        } {sc.loop_unroll_factor = 8 : i64, sc.parallel_access}
        %mul3A_191 = arith.constant 32 : i32
        %mul3A_192 = arith.muli %add3A_137, %mul3A_191 : i32
        %add3A_193 = arith.addi %add3A, %mul3A_192 : i32
        %mul3A_194 = arith.constant 3200 : i32
        %mul3A_195 = arith.muli %add3A_193, %mul3A_194 : i32
        %dma_start3A_196 = tpu.memref_slice %arg5[%mul3A_195] : memref<6400000xf32, #tpu.memory_space<hbm>> -> memref<3200xf32, #tpu.memory_space<hbm>>
        %dma_start3A_197 = tpu.memref_slice %arg5[%mul3A_195] : memref<6400000xf32, #tpu.memory_space<hbm>> -> memref<3200xf32, #tpu.memory_space<hbm>>
        tpu.enqueue_dma source(%arg10 : memref<3200xf32, #tpu.memory_space<vmem>>) target(%dma_start3A_197 : memref<3200xf32, #tpu.memory_space<hbm>>) target_semaphore(%arg15 : memref<!tpu.dma_semaphore, #tpu.memory_space<semaphore_mem>>)
      } else {
      }
    }
    %while3A_71 = arith.constant 1 : i32
    scf.for %while3A_133 = %while3A_69 to %while3A_65 step %while3A_71  : i32 {
      %mul3A_134 = arith.constant 2 : i32
      %mul3A_135 = arith.muli %mul3A_134, %while3A_133 : i32
      %add3A_136 = arith.constant 1 : i32
      %add3A_137 = arith.addi %mul3A_135, %add3A_136 : i32
      %lt3A = arith.cmpi slt, %add3A_137, %select_n3A : i32
      %convert_element_type3A_138 = arith.extui %lt3A : i1 to i32
      %cond3A_139 = arith.constant 0 : i32
      %cond3A_140 = arith.cmpi ne, %convert_element_type3A_138, %cond3A_139 : i32
      scf.if %cond3A_140 {
        %mul3A_174 = arith.constant 32 : i32
        %mul3A_175 = arith.muli %add3A_137, %mul3A_174 : i32
        %add3A_176 = arith.addi %add3A, %mul3A_175 : i32
        %mul3A_177 = arith.constant 3200 : i32
        %mul3A_178 = arith.muli %add3A_176, %mul3A_177 : i32
        %dma_start3A_179 = arith.constant 0 : i32
        %dma_start3A_180 = tpu.memref_slice %arg3[%dma_start3A_179, %mul3A_178] : memref<2x6400000xi32, #tpu.memory_space<hbm>> -> memref<2x3200xi32, #tpu.memory_space<hbm>>
        %dma_start3A_181 = arith.constant 0 : i32
        %dma_start3A_182 = tpu.memref_slice %arg3[%dma_start3A_181, %mul3A_178] : memref<2x6400000xi32, #tpu.memory_space<hbm>> -> memref<2x3200xi32, #tpu.memory_space<hbm>>
        tpu.enqueue_dma source(%dma_start3A_182 : memref<2x3200xi32, #tpu.memory_space<hbm>>) target(%arg8 : memref<2x3200xi32, #tpu.memory_space<vmem>>) target_semaphore(%arg13 : memref<!tpu.dma_semaphore, #tpu.memory_space<semaphore_mem>>)
      } else {
      }
      %mul3A_141 = arith.constant 32 : i32
      %mul3A_142 = arith.muli %mul3A_135, %mul3A_141 : i32
      %add3A_143 = arith.addi %add3A, %mul3A_142 : i32
      %mul3A_144 = arith.constant 3200 : i32
      %mul3A_145 = arith.muli %add3A_143, %mul3A_144 : i32
      %dma_wait3A_146 = arith.constant 0 : i32
      %dma_wait3A_147 = tpu.memref_slice %arg3[%dma_wait3A_146, %mul3A_145] : memref<2x6400000xi32, #tpu.memory_space<hbm>> -> memref<2x3200xi32, #tpu.memory_space<hbm>>
      %dma_wait3A_148 = arith.constant 0 : i32
      %dma_wait3A_149 = tpu.memref_slice %arg3[%dma_wait3A_148, %mul3A_145] : memref<2x6400000xi32, #tpu.memory_space<hbm>> -> memref<2x3200xi32, #tpu.memory_space<hbm>>
      tpu.wait_dma2 semaphore(%arg12 : memref<!tpu.dma_semaphore, #tpu.memory_space<semaphore_mem>>) src(%dma_wait3A_149 : memref<2x3200xi32, #tpu.memory_space<hbm>>) dst(%arg7 : memref<2x3200xi32, #tpu.memory_space<vmem>>)
      %ge3A_150 = arith.constant 2 : i32
      %ge3A_151 = arith.cmpi sge, %mul3A_135, %ge3A_150 : i32
      %convert_element_type3A_152 = arith.extui %ge3A_151 : i1 to i32
      %cond3A_153 = arith.constant 0 : i32
      %cond3A_154 = arith.cmpi ne, %convert_element_type3A_152, %cond3A_153 : i32
      scf.if %cond3A_154 {
        %mul3A_174 = arith.constant 32 : i32
        %mul3A_175 = arith.muli %mul3A_135, %mul3A_174 : i32
        %add3A_176 = arith.addi %add3A, %mul3A_175 : i32
        %mul3A_177 = arith.constant 3200 : i32
        %mul3A_178 = arith.muli %add3A_176, %mul3A_177 : i32
        %dma_wait3A_179 = tpu.memref_slice %arg5[%mul3A_178] : memref<6400000xf32, #tpu.memory_space<hbm>> -> memref<3200xf32, #tpu.memory_space<hbm>>
        %dma_wait3A_180 = tpu.memref_slice %arg5[%mul3A_178] : memref<6400000xf32, #tpu.memory_space<hbm>> -> memref<3200xf32, #tpu.memory_space<hbm>>
        tpu.wait_dma2 semaphore(%arg14 : memref<!tpu.dma_semaphore, #tpu.memory_space<semaphore_mem>>) src(%arg9 : memref<3200xf32, #tpu.memory_space<vmem>>) dst(%dma_wait3A_180 : memref<3200xf32, #tpu.memory_space<hbm>>)
      } else {
      }
      %parallel_loop3A = arith.constant 0 : i32
      %parallel_loop3A_155 = arith.constant 200 : i32
      %parallel_loop3A_156 = arith.constant 1 : i32
      scf.for %parallel_loop3A_174 = %parallel_loop3A to %parallel_loop3A_155 step %parallel_loop3A_156  : i32 {
        %parallel_loop3A_175 = arith.constant 16 : i32
        %parallel_loop3A_176 = arith.muli %parallel_loop3A_174, %parallel_loop3A_175 : i32
        %parallel_loop3A_177 = arith.constant 0 : i32
        %parallel_loop3A_178 = arith.index_cast %parallel_loop3A_177 : i32 to index
        %parallel_loop3A_179 = arith.index_cast %parallel_loop3A_176 : i32 to index
        %parallel_loop3A_180 = tpu.vector_load %arg7[%parallel_loop3A_178, %parallel_loop3A_179] {strides = array<i32>} : memref<2x3200xi32, #tpu.memory_space<vmem>>, vector<16xi32>,
        %parallel_loop3A_181 = tpu.vector_load_idx %arg6[%parallel_loop3A_180] : memref<102400xf32, #tpu.memory_space<vmem>>[vector<16xi32>], vector<16xf32>,
        %parallel_loop3A_182 = arith.constant 16 : i32
        %parallel_loop3A_183 = arith.muli %parallel_loop3A_174, %parallel_loop3A_182 : i32
        %parallel_loop3A_184 = arith.index_cast %parallel_loop3A_183 : i32 to index
        %parallel_loop3A_185 = tpu.vector_load %arg9[%parallel_loop3A_184] {strides = array<i32>} : memref<3200xf32, #tpu.memory_space<vmem>>, vector<16xf32>,
        tpu.vector_store %arg9[%parallel_loop3A_184], %parallel_loop3A_181 {strides = array<i32>} : memref<3200xf32, #tpu.memory_space<vmem>>, vector<16xf32>,
      } {sc.loop_unroll_factor = 8 : i64, sc.parallel_access}
      %mul3A_157 = arith.constant 32 : i32
      %mul3A_158 = arith.muli %mul3A_135, %mul3A_157 : i32
      %add3A_159 = arith.addi %add3A, %mul3A_158 : i32
      %mul3A_160 = arith.constant 3200 : i32
      %mul3A_161 = arith.muli %add3A_159, %mul3A_160 : i32
      %dma_start3A_162 = tpu.memref_slice %arg5[%mul3A_161] : memref<6400000xf32, #tpu.memory_space<hbm>> -> memref<3200xf32, #tpu.memory_space<hbm>>
      %dma_start3A_163 = tpu.memref_slice %arg5[%mul3A_161] : memref<6400000xf32, #tpu.memory_space<hbm>> -> memref<3200xf32, #tpu.memory_space<hbm>>
      tpu.enqueue_dma source(%arg9 : memref<3200xf32, #tpu.memory_space<vmem>>) target(%dma_start3A_163 : memref<3200xf32, #tpu.memory_space<hbm>>) target_semaphore(%arg14 : memref<!tpu.dma_semaphore, #tpu.memory_space<semaphore_mem>>)
      %add3A_164 = arith.constant 2 : i32
      %add3A_165 = arith.addi %mul3A_135, %add3A_164 : i32
      %lt3A_166 = arith.cmpi slt, %add3A_165, %select_n3A : i32
      %convert_element_type3A_167 = arith.extui %lt3A_166 : i1 to i32
      %cond3A_168 = arith.constant 0 : i32
      %cond3A_169 = arith.cmpi ne, %convert_element_type3A_167, %cond3A_168 : i32
      scf.if %cond3A_169 {
        %add3A_174 = arith.constant 2 : i32
        %add3A_175 = arith.addi %mul3A_135, %add3A_174 : i32
        %mul3A_176 = arith.constant 32 : i32
        %mul3A_177 = arith.muli %add3A_175, %mul3A_176 : i32
        %add3A_178 = arith.addi %add3A, %mul3A_177 : i32
        %mul3A_179 = arith.constant 3200 : i32
        %mul3A_180 = arith.muli %add3A_178, %mul3A_179 : i32
        %dma_start3A_181 = arith.constant 0 : i32
        %dma_start3A_182 = tpu.memref_slice %arg3[%dma_start3A_181, %mul3A_180] : memref<2x6400000xi32, #tpu.memory_space<hbm>> -> memref<2x3200xi32, #tpu.memory_space<hbm>>
        %dma_start3A_183 = arith.constant 0 : i32
        %dma_start3A_184 = tpu.memref_slice %arg3[%dma_start3A_183, %mul3A_180] : memref<2x6400000xi32, #tpu.memory_space<hbm>> -> memref<2x3200xi32, #tpu.memory_space<hbm>>
        tpu.enqueue_dma source(%dma_start3A_184 : memref<2x3200xi32, #tpu.memory_space<hbm>>) target(%arg7 : memref<2x3200xi32, #tpu.memory_space<vmem>>) target_semaphore(%arg12 : memref<!tpu.dma_semaphore, #tpu.memory_space<semaphore_mem>>)
      } else {
      }
      %lt3A_170 = arith.cmpi slt, %add3A_137, %select_n3A : i32
      %convert_element_type3A_171 = arith.extui %lt3A_170 : i1 to i32
      %cond3A_172 = arith.constant 0 : i32
      %cond3A_173 = arith.cmpi ne, %convert_element_type3A_171, %cond3A_172 : i32
      scf.if %cond3A_173 {
        %mul3A_174 = arith.constant 32 : i32
        %mul3A_175 = arith.muli %add3A_137, %mul3A_174 : i32
        %add3A_176 = arith.addi %add3A, %mul3A_175 : i32
        %mul3A_177 = arith.constant 3200 : i32
        %mul3A_178 = arith.muli %add3A_176, %mul3A_177 : i32
        %dma_wait3A_179 = arith.constant 0 : i32
        %dma_wait3A_180 = tpu.memref_slice %arg3[%dma_wait3A_179, %mul3A_178] : memref<2x6400000xi32, #tpu.memory_space<hbm>> -> memref<2x3200xi32, #tpu.memory_space<hbm>>
        %dma_wait3A_181 = arith.constant 0 : i32
        %dma_wait3A_182 = tpu.memref_slice %arg3[%dma_wait3A_181, %mul3A_178] : memref<2x6400000xi32, #tpu.memory_space<hbm>> -> memref<2x3200xi32, #tpu.memory_space<hbm>>
        tpu.wait_dma2 semaphore(%arg13 : memref<!tpu.dma_semaphore, #tpu.memory_space<semaphore_mem>>) src(%dma_wait3A_182 : memref<2x3200xi32, #tpu.memory_space<hbm>>) dst(%arg8 : memref<2x3200xi32, #tpu.memory_space<vmem>>)
        %ge3A_183 = arith.constant 2 : i32
        %ge3A_184 = arith.cmpi sge, %add3A_137, %ge3A_183 : i32
        %convert_element_type3A_185 = arith.extui %ge3A_184 : i1 to i32
        %cond3A_186 = arith.constant 0 : i32
        %cond3A_187 = arith.cmpi ne, %convert_element_type3A_185, %cond3A_186 : i32
        scf.if %cond3A_187 {
          %mul3A_198 = arith.constant 32 : i32
          %mul3A_199 = arith.muli %add3A_137, %mul3A_198 : i32
          %add3A_200 = arith.addi %add3A, %mul3A_199 : i32
          %mul3A_201 = arith.constant 3200 : i32
          %mul3A_202 = arith.muli %add3A_200, %mul3A_201 : i32
          %dma_wait3A_203 = tpu.memref_slice %arg5[%mul3A_202] : memref<6400000xf32, #tpu.memory_space<hbm>> -> memref<3200xf32, #tpu.memory_space<hbm>>
          %dma_wait3A_204 = tpu.memref_slice %arg5[%mul3A_202] : memref<6400000xf32, #tpu.memory_space<hbm>> -> memref<3200xf32, #tpu.memory_space<hbm>>
          tpu.wait_dma2 semaphore(%arg15 : memref<!tpu.dma_semaphore, #tpu.memory_space<semaphore_mem>>) src(%arg10 : memref<3200xf32, #tpu.memory_space<vmem>>) dst(%dma_wait3A_204 : memref<3200xf32, #tpu.memory_space<hbm>>)
        } else {
        }
        %parallel_loop3A_188 = arith.constant 0 : i32
        %parallel_loop3A_189 = arith.constant 200 : i32
        %parallel_loop3A_190 = arith.constant 1 : i32
        scf.for %parallel_loop3A_198 = %parallel_loop3A_188 to %parallel_loop3A_189 step %parallel_loop3A_190  : i32 {
          %parallel_loop3A_199 = arith.constant 16 : i32
          %parallel_loop3A_200 = arith.muli %parallel_loop3A_198, %parallel_loop3A_199 : i32
          %parallel_loop3A_201 = arith.constant 0 : i32
          %parallel_loop3A_202 = arith.index_cast %parallel_loop3A_201 : i32 to index
          %parallel_loop3A_203 = arith.index_cast %parallel_loop3A_200 : i32 to index
          %parallel_loop3A_204 = tpu.vector_load %arg8[%parallel_loop3A_202, %parallel_loop3A_203] {strides = array<i32>} : memref<2x3200xi32, #tpu.memory_space<vmem>>, vector<16xi32>,
          %parallel_loop3A_205 = tpu.vector_load_idx %arg6[%parallel_loop3A_204] : memref<102400xf32, #tpu.memory_space<vmem>>[vector<16xi32>], vector<16xf32>,
          %parallel_loop3A_206 = arith.constant 16 : i32
          %parallel_loop3A_207 = arith.muli %parallel_loop3A_198, %parallel_loop3A_206 : i32
          %parallel_loop3A_208 = arith.index_cast %parallel_loop3A_207 : i32 to index
          %parallel_loop3A_209 = tpu.vector_load %arg10[%parallel_loop3A_208] {strides = array<i32>} : memref<3200xf32, #tpu.memory_space<vmem>>, vector<16xf32>,
          tpu.vector_store %arg10[%parallel_loop3A_208], %parallel_loop3A_205 {strides = array<i32>} : memref<3200xf32, #tpu.memory_space<vmem>>, vector<16xf32>,
        } {sc.loop_unroll_factor = 8 : i64, sc.parallel_access}
        %mul3A_191 = arith.constant 32 : i32
        %mul3A_192 = arith.muli %add3A_137, %mul3A_191 : i32
        %add3A_193 = arith.addi %add3A, %mul3A_192 : i32
        %mul3A_194 = arith.constant 3200 : i32
        %mul3A_195 = arith.muli %add3A_193, %mul3A_194 : i32
        %dma_start3A_196 = tpu.memref_slice %arg5[%mul3A_195] : memref<6400000xf32, #tpu.memory_space<hbm>> -> memref<3200xf32, #tpu.memory_space<hbm>>
        %dma_start3A_197 = tpu.memref_slice %arg5[%mul3A_195] : memref<6400000xf32, #tpu.memory_space<hbm>> -> memref<3200xf32, #tpu.memory_space<hbm>>
        tpu.enqueue_dma source(%arg10 : memref<3200xf32, #tpu.memory_space<vmem>>) target(%dma_start3A_197 : memref<3200xf32, #tpu.memory_space<hbm>>) target_semaphore(%arg15 : memref<!tpu.dma_semaphore, #tpu.memory_space<semaphore_mem>>)
      } else {
      }
    }
    %dma_wait3A_72 = arith.constant 0 : i32
    %dma_wait3A_73 = tpu.memref_slice %arg5[%dma_wait3A_72] : memref<6400000xf32, #tpu.memory_space<hbm>> -> memref<3200xf32, #tpu.memory_space<hbm>>
    %dma_wait3A_74 = arith.constant 0 : i32
    %dma_wait3A_75 = tpu.memref_slice %arg5[%dma_wait3A_74] : memref<6400000xf32, #tpu.memory_space<hbm>> -> memref<3200xf32, #tpu.memory_space<hbm>>
    tpu.wait_dma2 semaphore(%arg14 : memref<!tpu.dma_semaphore, #tpu.memory_space<semaphore_mem>>) src(%arg9 : memref<3200xf32, #tpu.memory_space<vmem>>) dst(%dma_wait3A_75 : memref<3200xf32, #tpu.memory_space<hbm>>)
    %ge3A = arith.constant 2 : i32
    %ge3A_76 = arith.cmpi sge, %select_n3A, %ge3A : i32
    %convert_element_type3A = arith.extui %ge3A_76 : i1 to i32
    %cond3A = arith.constant 0 : i32
    %cond3A_77 = arith.cmpi ne, %convert_element_type3A, %cond3A : i32
    scf.if %cond3A_77 {
      %dma_wait3A_133 = arith.constant 0 : i32
      %dma_wait3A_134 = tpu.memref_slice %arg5[%dma_wait3A_133] : memref<6400000xf32, #tpu.memory_space<hbm>> -> memref<3200xf32, #tpu.memory_space<hbm>>
      %dma_wait3A_135 = arith.constant 0 : i32
      %dma_wait3A_136 = tpu.memref_slice %arg5[%dma_wait3A_135] : memref<6400000xf32, #tpu.memory_space<hbm>> -> memref<3200xf32, #tpu.memory_space<hbm>>
      tpu.wait_dma2 semaphore(%arg15 : memref<!tpu.dma_semaphore, #tpu.memory_space<semaphore_mem>>) src(%arg10 : memref<3200xf32, #tpu.memory_space<vmem>>) dst(%dma_wait3A_136 : memref<3200xf32, #tpu.memory_space<hbm>>)
    } else {
    }
    %add3A_78 = arith.constant 0 : i32
    %add3A_79 = arith.addi %add3A, %add3A_78 : i32
    %mul3A_80 = arith.constant 3200 : i32
    %mul3A_81 = arith.muli %add3A_79, %mul3A_80 : i32
    %dma_start3A_82 = arith.constant 0 : i32
    %dma_start3A_83 = tpu.memref_slice %arg3[%dma_start3A_82, %mul3A_81] : memref<2x6400000xi32, #tpu.memory_space<hbm>> -> memref<2x3200xi32, #tpu.memory_space<hbm>>
    %dma_start3A_84 = arith.constant 0 : i32
    %dma_start3A_85 = tpu.memref_slice %arg3[%dma_start3A_84, %mul3A_81] : memref<2x6400000xi32, #tpu.memory_space<hbm>> -> memref<2x3200xi32, #tpu.memory_space<hbm>>
    tpu.enqueue_dma source(%dma_start3A_85 : memref<2x3200xi32, #tpu.memory_space<hbm>>) target(%arg7 : memref<2x3200xi32, #tpu.memory_space<vmem>>) target_semaphore(%arg12 : memref<!tpu.dma_semaphore, #tpu.memory_space<semaphore_mem>>)
    %add3A_86 = arith.constant 0 : i32
    %add3A_87 = arith.addi %add3A, %add3A_86 : i32
    %mul3A_88 = arith.constant 3200 : i32
    %mul3A_89 = arith.muli %add3A_87, %mul3A_88 : i32
    %dma_start3A_90 = tpu.memref_slice %arg5[%mul3A_89] : memref<6400000xf32, #tpu.memory_space<hbm>> -> memref<3200xf32, #tpu.memory_space<hbm>>
    %dma_start3A_91 = tpu.memref_slice %arg5[%mul3A_89] : memref<6400000xf32, #tpu.memory_space<hbm>> -> memref<3200xf32, #tpu.memory_space<hbm>>
    tpu.enqueue_dma source(%dma_start3A_91 : memref<3200xf32, #tpu.memory_space<hbm>>) target(%arg9 : memref<3200xf32, #tpu.memory_space<vmem>>) target_semaphore(%arg14 : memref<!tpu.dma_semaphore, #tpu.memory_space<semaphore_mem>>)
    %scan3A = arith.constant 0 : i32
    %scan3A_92 = arith.constant 0 : i32
    %scan3A_93 = arith.constant 800 : i32
    %scan3A_94 = arith.addi %scan3A_92, %scan3A_93 : i32
    %scan3A_95 = arith.constant 1 : i32
    scf.for %scan3A_133 = %scan3A_92 to %scan3A_94 step %scan3A_95  : i32 {
      %broadcast_in_dim3A = arith.constant 0.000000e+00 : f32
      %broadcast_in_dim3A_134 = vector.broadcast %broadcast_in_dim3A : f32 to vector<16xf32>
      %mul3A_135 = arith.constant 8 : i32
      %mul3A_136 = arith.muli %scan3A_133, %mul3A_135 : i32
      %mul3A_137 = arith.constant 16 : i32
      %mul3A_138 = arith.muli %mul3A_136, %mul3A_137 : i32
      %add3A_139 = arith.constant 0 : i32
      %add3A_140 = arith.addi %mul3A_138, %add3A_139 : i32
      %swap3A = arith.index_cast %add3A_140 : i32 to index
      %swap3A_141 = tpu.vector_load %arg6[%swap3A] {strides = array<i32>} : memref<102400xf32, #tpu.memory_space<vmem>>, vector<16xf32>,
      tpu.vector_store %arg6[%swap3A], %broadcast_in_dim3A_134 {strides = array<i32>} : memref<102400xf32, #tpu.memory_space<vmem>>, vector<16xf32>,
      %broadcast_in_dim3A_142 = arith.constant 0.000000e+00 : f32
      %broadcast_in_dim3A_143 = vector.broadcast %broadcast_in_dim3A_142 : f32 to vector<16xf32>
      %mul3A_144 = arith.constant 8 : i32
      %mul3A_145 = arith.muli %scan3A_133, %mul3A_144 : i32
      %mul3A_146 = arith.constant 16 : i32
      %mul3A_147 = arith.muli %mul3A_145, %mul3A_146 : i32
      %add3A_148 = arith.constant 16 : i32
      %add3A_149 = arith.addi %mul3A_147, %add3A_148 : i32
      %swap3A_150 = arith.index_cast %add3A_149 : i32 to index
      %swap3A_151 = tpu.vector_load %arg6[%swap3A_150] {strides = array<i32>} : memref<102400xf32, #tpu.memory_space<vmem>>, vector<16xf32>,
      tpu.vector_store %arg6[%swap3A_150], %broadcast_in_dim3A_143 {strides = array<i32>} : memref<102400xf32, #tpu.memory_space<vmem>>, vector<16xf32>,
      %broadcast_in_dim3A_152 = arith.constant 0.000000e+00 : f32
      %broadcast_in_dim3A_153 = vector.broadcast %broadcast_in_dim3A_152 : f32 to vector<16xf32>
      %mul3A_154 = arith.constant 8 : i32
      %mul3A_155 = arith.muli %scan3A_133, %mul3A_154 : i32
      %mul3A_156 = arith.constant 16 : i32
      %mul3A_157 = arith.muli %mul3A_155, %mul3A_156 : i32
      %add3A_158 = arith.constant 32 : i32
      %add3A_159 = arith.addi %mul3A_157, %add3A_158 : i32
      %swap3A_160 = arith.index_cast %add3A_159 : i32 to index
      %swap3A_161 = tpu.vector_load %arg6[%swap3A_160] {strides = array<i32>} : memref<102400xf32, #tpu.memory_space<vmem>>, vector<16xf32>,
      tpu.vector_store %arg6[%swap3A_160], %broadcast_in_dim3A_153 {strides = array<i32>} : memref<102400xf32, #tpu.memory_space<vmem>>, vector<16xf32>,
      %broadcast_in_dim3A_162 = arith.constant 0.000000e+00 : f32
      %broadcast_in_dim3A_163 = vector.broadcast %broadcast_in_dim3A_162 : f32 to vector<16xf32>
      %mul3A_164 = arith.constant 8 : i32
      %mul3A_165 = arith.muli %scan3A_133, %mul3A_164 : i32
      %mul3A_166 = arith.constant 16 : i32
      %mul3A_167 = arith.muli %mul3A_165, %mul3A_166 : i32
      %add3A_168 = arith.constant 48 : i32
      %add3A_169 = arith.addi %mul3A_167, %add3A_168 : i32
      %swap3A_170 = arith.index_cast %add3A_169 : i32 to index
      %swap3A_171 = tpu.vector_load %arg6[%swap3A_170] {strides = array<i32>} : memref<102400xf32, #tpu.memory_space<vmem>>, vector<16xf32>,
      tpu.vector_store %arg6[%swap3A_170], %broadcast_in_dim3A_163 {strides = array<i32>} : memref<102400xf32, #tpu.memory_space<vmem>>, vector<16xf32>,
      %broadcast_in_dim3A_172 = arith.constant 0.000000e+00 : f32
      %broadcast_in_dim3A_173 = vector.broadcast %broadcast_in_dim3A_172 : f32 to vector<16xf32>
      %mul3A_174 = arith.constant 8 : i32
      %mul3A_175 = arith.muli %scan3A_133, %mul3A_174 : i32
      %mul3A_176 = arith.constant 16 : i32
      %mul3A_177 = arith.muli %mul3A_175, %mul3A_176 : i32
      %add3A_178 = arith.constant 64 : i32
      %add3A_179 = arith.addi %mul3A_177, %add3A_178 : i32
      %swap3A_180 = arith.index_cast %add3A_179 : i32 to index
      %swap3A_181 = tpu.vector_load %arg6[%swap3A_180] {strides = array<i32>} : memref<102400xf32, #tpu.memory_space<vmem>>, vector<16xf32>,
      tpu.vector_store %arg6[%swap3A_180], %broadcast_in_dim3A_173 {strides = array<i32>} : memref<102400xf32, #tpu.memory_space<vmem>>, vector<16xf32>,
      %broadcast_in_dim3A_182 = arith.constant 0.000000e+00 : f32
      %broadcast_in_dim3A_183 = vector.broadcast %broadcast_in_dim3A_182 : f32 to vector<16xf32>
      %mul3A_184 = arith.constant 8 : i32
      %mul3A_185 = arith.muli %scan3A_133, %mul3A_184 : i32
      %mul3A_186 = arith.constant 16 : i32
      %mul3A_187 = arith.muli %mul3A_185, %mul3A_186 : i32
      %add3A_188 = arith.constant 80 : i32
      %add3A_189 = arith.addi %mul3A_187, %add3A_188 : i32
      %swap3A_190 = arith.index_cast %add3A_189 : i32 to index
      %swap3A_191 = tpu.vector_load %arg6[%swap3A_190] {strides = array<i32>} : memref<102400xf32, #tpu.memory_space<vmem>>, vector<16xf32>,
      tpu.vector_store %arg6[%swap3A_190], %broadcast_in_dim3A_183 {strides = array<i32>} : memref<102400xf32, #tpu.memory_space<vmem>>, vector<16xf32>,
      %broadcast_in_dim3A_192 = arith.constant 0.000000e+00 : f32
      %broadcast_in_dim3A_193 = vector.broadcast %broadcast_in_dim3A_192 : f32 to vector<16xf32>
      %mul3A_194 = arith.constant 8 : i32
      %mul3A_195 = arith.muli %scan3A_133, %mul3A_194 : i32
      %mul3A_196 = arith.constant 16 : i32
      %mul3A_197 = arith.muli %mul3A_195, %mul3A_196 : i32
      %add3A_198 = arith.constant 96 : i32
      %add3A_199 = arith.addi %mul3A_197, %add3A_198 : i32
      %swap3A_200 = arith.index_cast %add3A_199 : i32 to index
      %swap3A_201 = tpu.vector_load %arg6[%swap3A_200] {strides = array<i32>} : memref<102400xf32, #tpu.memory_space<vmem>>, vector<16xf32>,
      tpu.vector_store %arg6[%swap3A_200], %broadcast_in_dim3A_193 {strides = array<i32>} : memref<102400xf32, #tpu.memory_space<vmem>>, vector<16xf32>,
      %broadcast_in_dim3A_202 = arith.constant 0.000000e+00 : f32
      %broadcast_in_dim3A_203 = vector.broadcast %broadcast_in_dim3A_202 : f32 to vector<16xf32>
      %mul3A_204 = arith.constant 8 : i32
      %mul3A_205 = arith.muli %scan3A_133, %mul3A_204 : i32
      %mul3A_206 = arith.constant 16 : i32
      %mul3A_207 = arith.muli %mul3A_205, %mul3A_206 : i32
      %add3A_208 = arith.constant 112 : i32
      %add3A_209 = arith.addi %mul3A_207, %add3A_208 : i32
      %swap3A_210 = arith.index_cast %add3A_209 : i32 to index
      %swap3A_211 = tpu.vector_load %arg6[%swap3A_210] {strides = array<i32>} : memref<102400xf32, #tpu.memory_space<vmem>>, vector<16xf32>,
      tpu.vector_store %arg6[%swap3A_210], %broadcast_in_dim3A_203 {strides = array<i32>} : memref<102400xf32, #tpu.memory_space<vmem>>, vector<16xf32>,
    }
    %scan3A_96 = arith.constant 800 : i32
    %add3A_97 = arith.constant 1 : i32
    %add3A_98 = arith.addi %select_n3A, %add3A_97 : i32
    %jit3A_99 = arith.constant 2 : i32
    %div3A_100 = arith.divsi %add3A_98, %jit3A_99 : i32
    %sign3A_101 = arith.constant 0 : i32
    %sign3A_102 = arith.cmpi sgt, %add3A_98, %sign3A_101 : i32
    %sign3A_103 = arith.extui %sign3A_102 : i1 to i32
    %sign3A_104 = arith.constant 0 : i32
    %sign3A_105 = arith.cmpi slt, %add3A_98, %sign3A_104 : i32
    %sign3A_106 = arith.extui %sign3A_105 : i1 to i32
    %sign3A_107 = arith.subi %sign3A_103, %sign3A_106 : i32
    %sign3A_108 = arith.constant 0 : i32
    %sign3A_109 = arith.cmpi sgt, %jit3A_99, %sign3A_108 : i32
    %sign3A_110 = arith.extui %sign3A_109 : i1 to i32
    %sign3A_111 = arith.constant 0 : i32
    %sign3A_112 = arith.cmpi slt, %jit3A_99, %sign3A_111 : i32
    %sign3A_113 = arith.extui %sign3A_112 : i1 to i32
    %sign3A_114 = arith.subi %sign3A_110, %sign3A_113 : i32
    %ne3A_115 = arith.cmpi ne, %sign3A_107, %sign3A_114 : i32
    %rem3A_116 = arith.remsi %add3A_98, %jit3A_99 : i32
    %ne3A_117 = arith.constant 0 : i32
    %ne3A_118 = arith.cmpi ne, %rem3A_116, %ne3A_117 : i32
    %and3A_119 = arith.andi %ne3A_115, %ne3A_118 : i1
    %sub3A_120 = arith.constant 1 : i32
    %sub3A_121 = arith.subi %div3A_100, %sub3A_120 : i32
    %select_n3A_122 = arith.select %and3A_119, %sub3A_121, %div3A_100 : i32
    %while3A_123 = arith.constant 0 : i32
    %while3A_124 = arith.constant 0 : i32
    %while3A_125 = arith.subi %select_n3A_122, %while3A_124 : i32
    %while3A_126 = arith.addi %while3A_124, %while3A_125 : i32
    %while3A_127 = arith.constant 1 : i32
    %while3A_128 = arith.divsi %while3A_125, %while3A_127 : i32
    %while3A_129 = arith.muli %while3A_128, %while3A_127 : i32
    %while3A_130 = arith.addi %while3A_124, %while3A_129 : i32
    %while3A_131 = arith.constant 1 : i32
    scf.for %while3A_133 = %while3A_124 to %while3A_130 step %while3A_131  : i32 {
      %mul3A_134 = arith.constant 2 : i32
      %mul3A_135 = arith.muli %mul3A_134, %while3A_133 : i32
      %add3A_136 = arith.constant 1 : i32
      %add3A_137 = arith.addi %mul3A_135, %add3A_136 : i32
      %lt3A = arith.cmpi slt, %add3A_137, %select_n3A : i32
      %convert_element_type3A_138 = arith.extui %lt3A : i1 to i32
      %cond3A_139 = arith.constant 0 : i32
      %cond3A_140 = arith.cmpi ne, %convert_element_type3A_138, %cond3A_139 : i32
      scf.if %cond3A_140 {
        %mul3A_169 = arith.constant 32 : i32
        %mul3A_170 = arith.muli %add3A_137, %mul3A_169 : i32
        %add3A_171 = arith.addi %add3A, %mul3A_170 : i32
        %mul3A_172 = arith.constant 3200 : i32
        %mul3A_173 = arith.muli %add3A_171, %mul3A_172 : i32
        %dma_start3A_174 = arith.constant 0 : i32
        %dma_start3A_175 = tpu.memref_slice %arg3[%dma_start3A_174, %mul3A_173] : memref<2x6400000xi32, #tpu.memory_space<hbm>> -> memref<2x3200xi32, #tpu.memory_space<hbm>>
        %dma_start3A_176 = arith.constant 0 : i32
        %dma_start3A_177 = tpu.memref_slice %arg3[%dma_start3A_176, %mul3A_173] : memref<2x6400000xi32, #tpu.memory_space<hbm>> -> memref<2x3200xi32, #tpu.memory_space<hbm>>
        tpu.enqueue_dma source(%dma_start3A_177 : memref<2x3200xi32, #tpu.memory_space<hbm>>) target(%arg8 : memref<2x3200xi32, #tpu.memory_space<vmem>>) target_semaphore(%arg13 : memref<!tpu.dma_semaphore, #tpu.memory_space<semaphore_mem>>)
        %mul3A_178 = arith.constant 32 : i32
        %mul3A_179 = arith.muli %add3A_137, %mul3A_178 : i32
        %add3A_180 = arith.addi %add3A, %mul3A_179 : i32
        %mul3A_181 = arith.constant 3200 : i32
        %mul3A_182 = arith.muli %add3A_180, %mul3A_181 : i32
        %dma_start3A_183 = tpu.memref_slice %arg5[%mul3A_182] : memref<6400000xf32, #tpu.memory_space<hbm>> -> memref<3200xf32, #tpu.memory_space<hbm>>
        %dma_start3A_184 = tpu.memref_slice %arg5[%mul3A_182] : memref<6400000xf32, #tpu.memory_space<hbm>> -> memref<3200xf32, #tpu.memory_space<hbm>>
        tpu.enqueue_dma source(%dma_start3A_184 : memref<3200xf32, #tpu.memory_space<hbm>>) target(%arg10 : memref<3200xf32, #tpu.memory_space<vmem>>) target_semaphore(%arg15 : memref<!tpu.dma_semaphore, #tpu.memory_space<semaphore_mem>>)
      } else {
      }
      %mul3A_141 = arith.constant 32 : i32
      %mul3A_142 = arith.muli %mul3A_135, %mul3A_141 : i32
      %add3A_143 = arith.addi %add3A, %mul3A_142 : i32
      %mul3A_144 = arith.constant 3200 : i32
      %mul3A_145 = arith.muli %add3A_143, %mul3A_144 : i32
      %dma_wait3A_146 = arith.constant 0 : i32
      %dma_wait3A_147 = tpu.memref_slice %arg3[%dma_wait3A_146, %mul3A_145] : memref<2x6400000xi32, #tpu.memory_space<hbm>> -> memref<2x3200xi32, #tpu.memory_space<hbm>>
      %dma_wait3A_148 = arith.constant 0 : i32
      %dma_wait3A_149 = tpu.memref_slice %arg3[%dma_wait3A_148, %mul3A_145] : memref<2x6400000xi32, #tpu.memory_space<hbm>> -> memref<2x3200xi32, #tpu.memory_space<hbm>>
      tpu.wait_dma2 semaphore(%arg12 : memref<!tpu.dma_semaphore, #tpu.memory_space<semaphore_mem>>) src(%dma_wait3A_149 : memref<2x3200xi32, #tpu.memory_space<hbm>>) dst(%arg7 : memref<2x3200xi32, #tpu.memory_space<vmem>>)
      %mul3A_150 = arith.constant 32 : i32
      %mul3A_151 = arith.muli %mul3A_135, %mul3A_150 : i32
      %add3A_152 = arith.addi %add3A, %mul3A_151 : i32
      %mul3A_153 = arith.constant 3200 : i32
      %mul3A_154 = arith.muli %add3A_152, %mul3A_153 : i32
      %dma_wait3A_155 = tpu.memref_slice %arg5[%mul3A_154] : memref<6400000xf32, #tpu.memory_space<hbm>> -> memref<3200xf32, #tpu.memory_space<hbm>>
      %dma_wait3A_156 = tpu.memref_slice %arg5[%mul3A_154] : memref<6400000xf32, #tpu.memory_space<hbm>> -> memref<3200xf32, #tpu.memory_space<hbm>>
      tpu.wait_dma2 semaphore(%arg14 : memref<!tpu.dma_semaphore, #tpu.memory_space<semaphore_mem>>) src(%dma_wait3A_156 : memref<3200xf32, #tpu.memory_space<hbm>>) dst(%arg9 : memref<3200xf32, #tpu.memory_space<vmem>>)
      %parallel_loop3A = arith.constant 0 : i32
      %parallel_loop3A_157 = arith.constant 200 : i32
      %parallel_loop3A_158 = arith.constant 1 : i32
      scf.for %parallel_loop3A_169 = %parallel_loop3A to %parallel_loop3A_157 step %parallel_loop3A_158  : i32 {
        %parallel_loop3A_170 = arith.constant 16 : i32
        %parallel_loop3A_171 = arith.muli %parallel_loop3A_169, %parallel_loop3A_170 : i32
        %parallel_loop3A_172 = arith.constant 1 : i32
        %parallel_loop3A_173 = arith.index_cast %parallel_loop3A_172 : i32 to index
        %parallel_loop3A_174 = arith.index_cast %parallel_loop3A_171 : i32 to index
        %parallel_loop3A_175 = tpu.vector_load %arg7[%parallel_loop3A_173, %parallel_loop3A_174] {strides = array<i32>} : memref<2x3200xi32, #tpu.memory_space<vmem>>, vector<16xi32>,
        %parallel_loop3A_176 = arith.constant 16 : i32
        %parallel_loop3A_177 = arith.muli %parallel_loop3A_169, %parallel_loop3A_176 : i32
        %parallel_loop3A_178 = arith.index_cast %parallel_loop3A_177 : i32 to index
        %parallel_loop3A_179 = tpu.vector_load %arg9[%parallel_loop3A_178] {strides = array<i32>} : memref<3200xf32, #tpu.memory_space<vmem>>, vector<16xf32>,
        tpu.vector_store_idx %arg6[%parallel_loop3A_175], %parallel_loop3A_179 {add = true} : memref<102400xf32, #tpu.memory_space<vmem>>[vector<16xi32>], vector<16xf32>,
      } {sc.loop_unroll_factor = 8 : i64, sc.parallel_access}
      %add3A_159 = arith.constant 2 : i32
      %add3A_160 = arith.addi %mul3A_135, %add3A_159 : i32
      %lt3A_161 = arith.cmpi slt, %add3A_160, %select_n3A : i32
      %convert_element_type3A_162 = arith.extui %lt3A_161 : i1 to i32
      %cond3A_163 = arith.constant 0 : i32
      %cond3A_164 = arith.cmpi ne, %convert_element_type3A_162, %cond3A_163 : i32
      scf.if %cond3A_164 {
        %add3A_169 = arith.constant 2 : i32
        %add3A_170 = arith.addi %mul3A_135, %add3A_169 : i32
        %mul3A_171 = arith.constant 32 : i32
        %mul3A_172 = arith.muli %add3A_170, %mul3A_171 : i32
        %add3A_173 = arith.addi %add3A, %mul3A_172 : i32
        %mul3A_174 = arith.constant 3200 : i32
        %mul3A_175 = arith.muli %add3A_173, %mul3A_174 : i32
        %dma_start3A_176 = arith.constant 0 : i32
        %dma_start3A_177 = tpu.memref_slice %arg3[%dma_start3A_176, %mul3A_175] : memref<2x6400000xi32, #tpu.memory_space<hbm>> -> memref<2x3200xi32, #tpu.memory_space<hbm>>
        %dma_start3A_178 = arith.constant 0 : i32
        %dma_start3A_179 = tpu.memref_slice %arg3[%dma_start3A_178, %mul3A_175] : memref<2x6400000xi32, #tpu.memory_space<hbm>> -> memref<2x3200xi32, #tpu.memory_space<hbm>>
        tpu.enqueue_dma source(%dma_start3A_179 : memref<2x3200xi32, #tpu.memory_space<hbm>>) target(%arg7 : memref<2x3200xi32, #tpu.memory_space<vmem>>) target_semaphore(%arg12 : memref<!tpu.dma_semaphore, #tpu.memory_space<semaphore_mem>>)
        %add3A_180 = arith.constant 2 : i32
        %add3A_181 = arith.addi %mul3A_135, %add3A_180 : i32
        %mul3A_182 = arith.constant 32 : i32
        %mul3A_183 = arith.muli %add3A_181, %mul3A_182 : i32
        %add3A_184 = arith.addi %add3A, %mul3A_183 : i32
        %mul3A_185 = arith.constant 3200 : i32
        %mul3A_186 = arith.muli %add3A_184, %mul3A_185 : i32
        %dma_start3A_187 = tpu.memref_slice %arg5[%mul3A_186] : memref<6400000xf32, #tpu.memory_space<hbm>> -> memref<3200xf32, #tpu.memory_space<hbm>>
        %dma_start3A_188 = tpu.memref_slice %arg5[%mul3A_186] : memref<6400000xf32, #tpu.memory_space<hbm>> -> memref<3200xf32, #tpu.memory_space<hbm>>
        tpu.enqueue_dma source(%dma_start3A_188 : memref<3200xf32, #tpu.memory_space<hbm>>) target(%arg9 : memref<3200xf32, #tpu.memory_space<vmem>>) target_semaphore(%arg14 : memref<!tpu.dma_semaphore, #tpu.memory_space<semaphore_mem>>)
      } else {
      }
      %lt3A_165 = arith.cmpi slt, %add3A_137, %select_n3A : i32
      %convert_element_type3A_166 = arith.extui %lt3A_165 : i1 to i32
      %cond3A_167 = arith.constant 0 : i32
      %cond3A_168 = arith.cmpi ne, %convert_element_type3A_166, %cond3A_167 : i32
      scf.if %cond3A_168 {
        %mul3A_169 = arith.constant 32 : i32
        %mul3A_170 = arith.muli %add3A_137, %mul3A_169 : i32
        %add3A_171 = arith.addi %add3A, %mul3A_170 : i32
        %mul3A_172 = arith.constant 3200 : i32
        %mul3A_173 = arith.muli %add3A_171, %mul3A_172 : i32
        %dma_wait3A_174 = arith.constant 0 : i32
        %dma_wait3A_175 = tpu.memref_slice %arg3[%dma_wait3A_174, %mul3A_173] : memref<2x6400000xi32, #tpu.memory_space<hbm>> -> memref<2x3200xi32, #tpu.memory_space<hbm>>
        %dma_wait3A_176 = arith.constant 0 : i32
        %dma_wait3A_177 = tpu.memref_slice %arg3[%dma_wait3A_176, %mul3A_173] : memref<2x6400000xi32, #tpu.memory_space<hbm>> -> memref<2x3200xi32, #tpu.memory_space<hbm>>
        tpu.wait_dma2 semaphore(%arg13 : memref<!tpu.dma_semaphore, #tpu.memory_space<semaphore_mem>>) src(%dma_wait3A_177 : memref<2x3200xi32, #tpu.memory_space<hbm>>) dst(%arg8 : memref<2x3200xi32, #tpu.memory_space<vmem>>)
        %mul3A_178 = arith.constant 32 : i32
        %mul3A_179 = arith.muli %add3A_137, %mul3A_178 : i32
        %add3A_180 = arith.addi %add3A, %mul3A_179 : i32
        %mul3A_181 = arith.constant 3200 : i32
        %mul3A_182 = arith.muli %add3A_180, %mul3A_181 : i32
        %dma_wait3A_183 = tpu.memref_slice %arg5[%mul3A_182] : memref<6400000xf32, #tpu.memory_space<hbm>> -> memref<3200xf32, #tpu.memory_space<hbm>>
        %dma_wait3A_184 = tpu.memref_slice %arg5[%mul3A_182] : memref<6400000xf32, #tpu.memory_space<hbm>> -> memref<3200xf32, #tpu.memory_space<hbm>>
        tpu.wait_dma2 semaphore(%arg15 : memref<!tpu.dma_semaphore, #tpu.memory_space<semaphore_mem>>) src(%dma_wait3A_184 : memref<3200xf32, #tpu.memory_space<hbm>>) dst(%arg10 : memref<3200xf32, #tpu.memory_space<vmem>>)
        %parallel_loop3A_185 = arith.constant 0 : i32
        %parallel_loop3A_186 = arith.constant 200 : i32
        %parallel_loop3A_187 = arith.constant 1 : i32
        scf.for %parallel_loop3A_188 = %parallel_loop3A_185 to %parallel_loop3A_186 step %parallel_loop3A_187  : i32 {
          %parallel_loop3A_189 = arith.constant 16 : i32
          %parallel_loop3A_190 = arith.muli %parallel_loop3A_188, %parallel_loop3A_189 : i32
          %parallel_loop3A_191 = arith.constant 1 : i32
          %parallel_loop3A_192 = arith.index_cast %parallel_loop3A_191 : i32 to index
          %parallel_loop3A_193 = arith.index_cast %parallel_loop3A_190 : i32 to index
          %parallel_loop3A_194 = tpu.vector_load %arg8[%parallel_loop3A_192, %parallel_loop3A_193] {strides = array<i32>} : memref<2x3200xi32, #tpu.memory_space<vmem>>, vector<16xi32>,
          %parallel_loop3A_195 = arith.constant 16 : i32
          %parallel_loop3A_196 = arith.muli %parallel_loop3A_188, %parallel_loop3A_195 : i32
          %parallel_loop3A_197 = arith.index_cast %parallel_loop3A_196 : i32 to index
          %parallel_loop3A_198 = tpu.vector_load %arg10[%parallel_loop3A_197] {strides = array<i32>} : memref<3200xf32, #tpu.memory_space<vmem>>, vector<16xf32>,
          tpu.vector_store_idx %arg6[%parallel_loop3A_194], %parallel_loop3A_198 {add = true} : memref<102400xf32, #tpu.memory_space<vmem>>[vector<16xi32>], vector<16xf32>,
        } {sc.loop_unroll_factor = 8 : i64, sc.parallel_access}
      } else {
      }
    }
    %while3A_132 = arith.constant 1 : i32
    scf.for %while3A_133 = %while3A_130 to %while3A_126 step %while3A_132  : i32 {
      %mul3A_134 = arith.constant 2 : i32
      %mul3A_135 = arith.muli %mul3A_134, %while3A_133 : i32
      %add3A_136 = arith.constant 1 : i32
      %add3A_137 = arith.addi %mul3A_135, %add3A_136 : i32
      %lt3A = arith.cmpi slt, %add3A_137, %select_n3A : i32
      %convert_element_type3A_138 = arith.extui %lt3A : i1 to i32
      %cond3A_139 = arith.constant 0 : i32
      %cond3A_140 = arith.cmpi ne, %convert_element_type3A_138, %cond3A_139 : i32
      scf.if %cond3A_140 {
        %mul3A_169 = arith.constant 32 : i32
        %mul3A_170 = arith.muli %add3A_137, %mul3A_169 : i32
        %add3A_171 = arith.addi %add3A, %mul3A_170 : i32
        %mul3A_172 = arith.constant 3200 : i32
        %mul3A_173 = arith.muli %add3A_171, %mul3A_172 : i32
        %dma_start3A_174 = arith.constant 0 : i32
        %dma_start3A_175 = tpu.memref_slice %arg3[%dma_start3A_174, %mul3A_173] : memref<2x6400000xi32, #tpu.memory_space<hbm>> -> memref<2x3200xi32, #tpu.memory_space<hbm>>
        %dma_start3A_176 = arith.constant 0 : i32
        %dma_start3A_177 = tpu.memref_slice %arg3[%dma_start3A_176, %mul3A_173] : memref<2x6400000xi32, #tpu.memory_space<hbm>> -> memref<2x3200xi32, #tpu.memory_space<hbm>>
        tpu.enqueue_dma source(%dma_start3A_177 : memref<2x3200xi32, #tpu.memory_space<hbm>>) target(%arg8 : memref<2x3200xi32, #tpu.memory_space<vmem>>) target_semaphore(%arg13 : memref<!tpu.dma_semaphore, #tpu.memory_space<semaphore_mem>>)
        %mul3A_178 = arith.constant 32 : i32
        %mul3A_179 = arith.muli %add3A_137, %mul3A_178 : i32
        %add3A_180 = arith.addi %add3A, %mul3A_179 : i32
        %mul3A_181 = arith.constant 3200 : i32
        %mul3A_182 = arith.muli %add3A_180, %mul3A_181 : i32
        %dma_start3A_183 = tpu.memref_slice %arg5[%mul3A_182] : memref<6400000xf32, #tpu.memory_space<hbm>> -> memref<3200xf32, #tpu.memory_space<hbm>>
        %dma_start3A_184 = tpu.memref_slice %arg5[%mul3A_182] : memref<6400000xf32, #tpu.memory_space<hbm>> -> memref<3200xf32, #tpu.memory_space<hbm>>
        tpu.enqueue_dma source(%dma_start3A_184 : memref<3200xf32, #tpu.memory_space<hbm>>) target(%arg10 : memref<3200xf32, #tpu.memory_space<vmem>>) target_semaphore(%arg15 : memref<!tpu.dma_semaphore, #tpu.memory_space<semaphore_mem>>)
      } else {
      }
      %mul3A_141 = arith.constant 32 : i32
      %mul3A_142 = arith.muli %mul3A_135, %mul3A_141 : i32
      %add3A_143 = arith.addi %add3A, %mul3A_142 : i32
      %mul3A_144 = arith.constant 3200 : i32
      %mul3A_145 = arith.muli %add3A_143, %mul3A_144 : i32
      %dma_wait3A_146 = arith.constant 0 : i32
      %dma_wait3A_147 = tpu.memref_slice %arg3[%dma_wait3A_146, %mul3A_145] : memref<2x6400000xi32, #tpu.memory_space<hbm>> -> memref<2x3200xi32, #tpu.memory_space<hbm>>
      %dma_wait3A_148 = arith.constant 0 : i32
      %dma_wait3A_149 = tpu.memref_slice %arg3[%dma_wait3A_148, %mul3A_145] : memref<2x6400000xi32, #tpu.memory_space<hbm>> -> memref<2x3200xi32, #tpu.memory_space<hbm>>
      tpu.wait_dma2 semaphore(%arg12 : memref<!tpu.dma_semaphore, #tpu.memory_space<semaphore_mem>>) src(%dma_wait3A_149 : memref<2x3200xi32, #tpu.memory_space<hbm>>) dst(%arg7 : memref<2x3200xi32, #tpu.memory_space<vmem>>)
      %mul3A_150 = arith.constant 32 : i32
      %mul3A_151 = arith.muli %mul3A_135, %mul3A_150 : i32
      %add3A_152 = arith.addi %add3A, %mul3A_151 : i32
      %mul3A_153 = arith.constant 3200 : i32
      %mul3A_154 = arith.muli %add3A_152, %mul3A_153 : i32
      %dma_wait3A_155 = tpu.memref_slice %arg5[%mul3A_154] : memref<6400000xf32, #tpu.memory_space<hbm>> -> memref<3200xf32, #tpu.memory_space<hbm>>
      %dma_wait3A_156 = tpu.memref_slice %arg5[%mul3A_154] : memref<6400000xf32, #tpu.memory_space<hbm>> -> memref<3200xf32, #tpu.memory_space<hbm>>
      tpu.wait_dma2 semaphore(%arg14 : memref<!tpu.dma_semaphore, #tpu.memory_space<semaphore_mem>>) src(%dma_wait3A_156 : memref<3200xf32, #tpu.memory_space<hbm>>) dst(%arg9 : memref<3200xf32, #tpu.memory_space<vmem>>)
      %parallel_loop3A = arith.constant 0 : i32
      %parallel_loop3A_157 = arith.constant 200 : i32
      %parallel_loop3A_158 = arith.constant 1 : i32
      scf.for %parallel_loop3A_169 = %parallel_loop3A to %parallel_loop3A_157 step %parallel_loop3A_158  : i32 {
        %parallel_loop3A_170 = arith.constant 16 : i32
        %parallel_loop3A_171 = arith.muli %parallel_loop3A_169, %parallel_loop3A_170 : i32
        %parallel_loop3A_172 = arith.constant 1 : i32
        %parallel_loop3A_173 = arith.index_cast %parallel_loop3A_172 : i32 to index
        %parallel_loop3A_174 = arith.index_cast %parallel_loop3A_171 : i32 to index
        %parallel_loop3A_175 = tpu.vector_load %arg7[%parallel_loop3A_173, %parallel_loop3A_174] {strides = array<i32>} : memref<2x3200xi32, #tpu.memory_space<vmem>>, vector<16xi32>,
        %parallel_loop3A_176 = arith.constant 16 : i32
        %parallel_loop3A_177 = arith.muli %parallel_loop3A_169, %parallel_loop3A_176 : i32
        %parallel_loop3A_178 = arith.index_cast %parallel_loop3A_177 : i32 to index
        %parallel_loop3A_179 = tpu.vector_load %arg9[%parallel_loop3A_178] {strides = array<i32>} : memref<3200xf32, #tpu.memory_space<vmem>>, vector<16xf32>,
        tpu.vector_store_idx %arg6[%parallel_loop3A_175], %parallel_loop3A_179 {add = true} : memref<102400xf32, #tpu.memory_space<vmem>>[vector<16xi32>], vector<16xf32>,
      } {sc.loop_unroll_factor = 8 : i64, sc.parallel_access}
      %add3A_159 = arith.constant 2 : i32
      %add3A_160 = arith.addi %mul3A_135, %add3A_159 : i32
      %lt3A_161 = arith.cmpi slt, %add3A_160, %select_n3A : i32
      %convert_element_type3A_162 = arith.extui %lt3A_161 : i1 to i32
      %cond3A_163 = arith.constant 0 : i32
      %cond3A_164 = arith.cmpi ne, %convert_element_type3A_162, %cond3A_163 : i32
      scf.if %cond3A_164 {
        %add3A_169 = arith.constant 2 : i32
        %add3A_170 = arith.addi %mul3A_135, %add3A_169 : i32
        %mul3A_171 = arith.constant 32 : i32
        %mul3A_172 = arith.muli %add3A_170, %mul3A_171 : i32
        %add3A_173 = arith.addi %add3A, %mul3A_172 : i32
        %mul3A_174 = arith.constant 3200 : i32
        %mul3A_175 = arith.muli %add3A_173, %mul3A_174 : i32
        %dma_start3A_176 = arith.constant 0 : i32
        %dma_start3A_177 = tpu.memref_slice %arg3[%dma_start3A_176, %mul3A_175] : memref<2x6400000xi32, #tpu.memory_space<hbm>> -> memref<2x3200xi32, #tpu.memory_space<hbm>>
        %dma_start3A_178 = arith.constant 0 : i32
        %dma_start3A_179 = tpu.memref_slice %arg3[%dma_start3A_178, %mul3A_175] : memref<2x6400000xi32, #tpu.memory_space<hbm>> -> memref<2x3200xi32, #tpu.memory_space<hbm>>
        tpu.enqueue_dma source(%dma_start3A_179 : memref<2x3200xi32, #tpu.memory_space<hbm>>) target(%arg7 : memref<2x3200xi32, #tpu.memory_space<vmem>>) target_semaphore(%arg12 : memref<!tpu.dma_semaphore, #tpu.memory_space<semaphore_mem>>)
        %add3A_180 = arith.constant 2 : i32
        %add3A_181 = arith.addi %mul3A_135, %add3A_180 : i32
        %mul3A_182 = arith.constant 32 : i32
        %mul3A_183 = arith.muli %add3A_181, %mul3A_182 : i32
        %add3A_184 = arith.addi %add3A, %mul3A_183 : i32
        %mul3A_185 = arith.constant 3200 : i32
        %mul3A_186 = arith.muli %add3A_184, %mul3A_185 : i32
        %dma_start3A_187 = tpu.memref_slice %arg5[%mul3A_186] : memref<6400000xf32, #tpu.memory_space<hbm>> -> memref<3200xf32, #tpu.memory_space<hbm>>
        %dma_start3A_188 = tpu.memref_slice %arg5[%mul3A_186] : memref<6400000xf32, #tpu.memory_space<hbm>> -> memref<3200xf32, #tpu.memory_space<hbm>>
        tpu.enqueue_dma source(%dma_start3A_188 : memref<3200xf32, #tpu.memory_space<hbm>>) target(%arg9 : memref<3200xf32, #tpu.memory_space<vmem>>) target_semaphore(%arg14 : memref<!tpu.dma_semaphore, #tpu.memory_space<semaphore_mem>>)
      } else {
      }
      %lt3A_165 = arith.cmpi slt, %add3A_137, %select_n3A : i32
      %convert_element_type3A_166 = arith.extui %lt3A_165 : i1 to i32
      %cond3A_167 = arith.constant 0 : i32
      %cond3A_168 = arith.cmpi ne, %convert_element_type3A_166, %cond3A_167 : i32
      scf.if %cond3A_168 {
        %mul3A_169 = arith.constant 32 : i32
        %mul3A_170 = arith.muli %add3A_137, %mul3A_169 : i32
        %add3A_171 = arith.addi %add3A, %mul3A_170 : i32
        %mul3A_172 = arith.constant 3200 : i32
        %mul3A_173 = arith.muli %add3A_171, %mul3A_172 : i32
        %dma_wait3A_174 = arith.constant 0 : i32
        %dma_wait3A_175 = tpu.memref_slice %arg3[%dma_wait3A_174, %mul3A_173] : memref<2x6400000xi32, #tpu.memory_space<hbm>> -> memref<2x3200xi32, #tpu.memory_space<hbm>>
        %dma_wait3A_176 = arith.constant 0 : i32
        %dma_wait3A_177 = tpu.memref_slice %arg3[%dma_wait3A_176, %mul3A_173] : memref<2x6400000xi32, #tpu.memory_space<hbm>> -> memref<2x3200xi32, #tpu.memory_space<hbm>>
        tpu.wait_dma2 semaphore(%arg13 : memref<!tpu.dma_semaphore, #tpu.memory_space<semaphore_mem>>) src(%dma_wait3A_177 : memref<2x3200xi32, #tpu.memory_space<hbm>>) dst(%arg8 : memref<2x3200xi32, #tpu.memory_space<vmem>>)
        %mul3A_178 = arith.constant 32 : i32
        %mul3A_179 = arith.muli %add3A_137, %mul3A_178 : i32
        %add3A_180 = arith.addi %add3A, %mul3A_179 : i32
        %mul3A_181 = arith.constant 3200 : i32
        %mul3A_182 = arith.muli %add3A_180, %mul3A_181 : i32
        %dma_wait3A_183 = tpu.memref_slice %arg5[%mul3A_182] : memref<6400000xf32, #tpu.memory_space<hbm>> -> memref<3200xf32, #tpu.memory_space<hbm>>
        %dma_wait3A_184 = tpu.memref_slice %arg5[%mul3A_182] : memref<6400000xf32, #tpu.memory_space<hbm>> -> memref<3200xf32, #tpu.memory_space<hbm>>
        tpu.wait_dma2 semaphore(%arg15 : memref<!tpu.dma_semaphore, #tpu.memory_space<semaphore_mem>>) src(%dma_wait3A_184 : memref<3200xf32, #tpu.memory_space<hbm>>) dst(%arg10 : memref<3200xf32, #tpu.memory_space<vmem>>)
        %parallel_loop3A_185 = arith.constant 0 : i32
        %parallel_loop3A_186 = arith.constant 200 : i32
        %parallel_loop3A_187 = arith.constant 1 : i32
        scf.for %parallel_loop3A_188 = %parallel_loop3A_185 to %parallel_loop3A_186 step %parallel_loop3A_187  : i32 {
          %parallel_loop3A_189 = arith.constant 16 : i32
          %parallel_loop3A_190 = arith.muli %parallel_loop3A_188, %parallel_loop3A_189 : i32
          %parallel_loop3A_191 = arith.constant 1 : i32
          %parallel_loop3A_192 = arith.index_cast %parallel_loop3A_191 : i32 to index
          %parallel_loop3A_193 = arith.index_cast %parallel_loop3A_190 : i32 to index
          %parallel_loop3A_194 = tpu.vector_load %arg8[%parallel_loop3A_192, %parallel_loop3A_193] {strides = array<i32>} : memref<2x3200xi32, #tpu.memory_space<vmem>>, vector<16xi32>,
          %parallel_loop3A_195 = arith.constant 16 : i32
          %parallel_loop3A_196 = arith.muli %parallel_loop3A_188, %parallel_loop3A_195 : i32
          %parallel_loop3A_197 = arith.index_cast %parallel_loop3A_196 : i32 to index
          %parallel_loop3A_198 = tpu.vector_load %arg10[%parallel_loop3A_197] {strides = array<i32>} : memref<3200xf32, #tpu.memory_space<vmem>>, vector<16xf32>,
          tpu.vector_store_idx %arg6[%parallel_loop3A_194], %parallel_loop3A_198 {add = true} : memref<102400xf32, #tpu.memory_space<vmem>>[vector<16xi32>], vector<16xf32>,
        } {sc.loop_unroll_factor = 8 : i64, sc.parallel_access}
      } else {
      }
    }
    "tpu.region"() ({
      %run_scoped3A = tpu.sem_alloc : memref<!tpu.dma_semaphore, #tpu.memory_space<semaphore_mem>>
      %dma_start3A_133 = arith.constant 0 : i32
      %dma_start3A_134 = tpu.memref_slice %arg4[%add3A, %dma_start3A_133] : memref<32x102400xf32, #tpu.memory_space<hbm>> -> memref<1x102400xf32, #tpu.memory_space<hbm>>
      %dma_start3A_135 = tpu.memref_squeeze %dma_start3A_134 : memref<1x102400xf32, #tpu.memory_space<hbm>> -> memref<102400xf32, #tpu.memory_space<hbm>>
      %dma_start3A_136 = arith.constant 0 : i32
      %dma_start3A_137 = tpu.memref_slice %arg4[%add3A, %dma_start3A_136] : memref<32x102400xf32, #tpu.memory_space<hbm>> -> memref<1x102400xf32, #tpu.memory_space<hbm>>
      %dma_start3A_138 = tpu.memref_squeeze %dma_start3A_137 : memref<1x102400xf32, #tpu.memory_space<hbm>> -> memref<102400xf32, #tpu.memory_space<hbm>>
      tpu.enqueue_dma source(%arg6 : memref<102400xf32, #tpu.memory_space<vmem>>) target(%dma_start3A_138 : memref<102400xf32, #tpu.memory_space<hbm>>) target_semaphore(%run_scoped3A : memref<!tpu.dma_semaphore, #tpu.memory_space<semaphore_mem>>)
      %dma_wait3A_139 = arith.constant 0 : i32
      %dma_wait3A_140 = tpu.memref_slice %arg4[%add3A, %dma_wait3A_139] : memref<32x102400xf32, #tpu.memory_space<hbm>> -> memref<1x102400xf32, #tpu.memory_space<hbm>>
      %dma_wait3A_141 = tpu.memref_squeeze %dma_wait3A_140 : memref<1x102400xf32, #tpu.memory_space<hbm>> -> memref<102400xf32, #tpu.memory_space<hbm>>
      %dma_wait3A_142 = arith.constant 0 : i32
      %dma_wait3A_143 = tpu.memref_slice %arg4[%add3A, %dma_wait3A_142] : memref<32x102400xf32, #tpu.memory_space<hbm>> -> memref<1x102400xf32, #tpu.memory_space<hbm>>
      %dma_wait3A_144 = tpu.memref_squeeze %dma_wait3A_143 : memref<1x102400xf32, #tpu.memory_space<hbm>> -> memref<102400xf32, #tpu.memory_space<hbm>>
      tpu.wait_dma2 semaphore(%run_scoped3A : memref<!tpu.dma_semaphore, #tpu.memory_space<semaphore_mem>>) src(%arg6 : memref<102400xf32, #tpu.memory_space<vmem>>) dst(%dma_wait3A_144 : memref<102400xf32, #tpu.memory_space<hbm>>)
      tpu.yield
    }) : () -> ()
    return
  }
}

module attributes {stable_mosaic.version = 14 : i64} {
  func.func @_tc_body(%arg0: i32, %arg1: memref<32x4096xf32, #tpu.memory_space<vmem>>, %arg2: memref<1x4096xf32, #tpu.memory_space<vmem>>, %arg3: memref<1x4096xi32, #tpu.memory_space<vmem>>, %arg4: memref<1x128xf32, #tpu.memory_space<vmem>>, %arg5: memref<1x128xf32, #tpu.memory_space<vmem>>, %arg6: memref<1x128xf32, #tpu.memory_space<vmem>>, %arg7: memref<128x26xf32, #tpu.memory_space<vmem>>, %arg8: memref<1x26xf32, #tpu.memory_space<vmem>>, %arg9: memref<256x26xf32, #tpu.memory_space<vmem>>, %arg10: memref<256x128xf32, #tpu.memory_space<vmem>>, %arg11: memref<256x128xf32, #tpu.memory_space<vmem>>) attributes {dimension_semantics = [#tpu.dimension_semantics<arbitrary>], iteration_bounds = array<i64: 25>, scalar_prefetch = 0 : i64, scratch_operands = 2 : i64, tpu.core_type = #tpu.core_type<tc>, window_params = [{transform_indices = @transform_0, window_bounds = array<i64: 32, 4096>}, {transform_indices = @transform_1, window_bounds = array<i64: 1, 4096>}, {transform_indices = @transform_2, window_bounds = array<i64: 1, 4096>}, {pipeline_mode = #tpu.pipeline_mode<synchronous>, transform_indices = @transform_3, window_bounds = array<i64: 1, 128>}, {pipeline_mode = #tpu.pipeline_mode<synchronous>, transform_indices = @transform_4, window_bounds = array<i64: 1, 128>}, {pipeline_mode = #tpu.pipeline_mode<synchronous>, transform_indices = @transform_5, window_bounds = array<i64: 1, 128>}, {pipeline_mode = #tpu.pipeline_mode<synchronous>, transform_indices = @transform_6, window_bounds = array<i64: 128, 26>}, {pipeline_mode = #tpu.pipeline_mode<synchronous>, transform_indices = @transform_7, window_bounds = array<i64: 1, 26>}, {pipeline_mode = #tpu.pipeline_mode<synchronous>, transform_indices = @transform_8, window_bounds = array<i64: 256, 26>}]} {
    %eq3A = arith.constant 0 : i32
    %eq3A_0 = arith.cmpi eq, %arg0, %eq3A : i32
    %convert_element_type3A = arith.extui %eq3A_0 : i1 to i32
    %cond3A = arith.constant 0 : i32
    %cond3A_1 = arith.cmpi ne, %convert_element_type3A, %cond3A : i32
    scf.if %cond3A_1 {
      %broadcast_in_dim3A_71 = arith.constant 0.000000e+00 : f32
      %broadcast_in_dim3A_72 = vector.broadcast %broadcast_in_dim3A_71 : f32 to vector<256x128xf32>
      %swap3A_73 = arith.constant 0 : index
      %swap3A_74 = arith.constant 0 : index
      %swap3A_75 = vector.load %arg10[%swap3A_73, %swap3A_74] : memref<256x128xf32, #tpu.memory_space<vmem>>, vector<256x128xf32>
      tpu.vector_store %arg10[%swap3A_73, %swap3A_74], %broadcast_in_dim3A_72 {strides = array<i32>} : memref<256x128xf32, #tpu.memory_space<vmem>>, vector<256x128xf32>,
      %broadcast_in_dim3A_76 = arith.constant 0.000000e+00 : f32
      %broadcast_in_dim3A_77 = vector.broadcast %broadcast_in_dim3A_76 : f32 to vector<256x128xf32>
      %swap3A_78 = arith.constant 0 : index
      %swap3A_79 = arith.constant 0 : index
      %swap3A_80 = vector.load %arg11[%swap3A_78, %swap3A_79] : memref<256x128xf32, #tpu.memory_space<vmem>>, vector<256x128xf32>
      tpu.vector_store %arg11[%swap3A_78, %swap3A_79], %broadcast_in_dim3A_77 {strides = array<i32>} : memref<256x128xf32, #tpu.memory_space<vmem>>, vector<256x128xf32>,
    } else {
    }
    %get3A = arith.constant 0 : index
    %get3A_2 = arith.constant 0 : index
    %get3A_3 = vector.load %arg1[%get3A, %get3A_2] : memref<32x4096xf32, #tpu.memory_space<vmem>>, vector<32x4096xf32>
    %reduce_sum3A = arith.constant dense<0.000000e+00> : vector<4096xf32>
    %reduce_sum3A_4 = vector.multi_reduction <add>, %get3A_3, %reduce_sum3A [0] : vector<32x4096xf32> to vector<4096xf32>
    %get3A_5 = arith.constant 0 : index
    %get3A_6 = arith.constant 0 : index
    %get3A_7 = vector.load %arg2[%get3A_5, %get3A_6] : memref<1x4096xf32, #tpu.memory_space<vmem>>, vector<1x4096xf32>
    %get3A_8 = vector.shape_cast %get3A_7 : vector<1x4096xf32> to vector<4096xf32>
    %broadcast_in_dim3A = vector.shape_cast %reduce_sum3A_4 : vector<4096xf32> to vector<4096x1xf32>
    %get3A_9 = arith.constant 0 : index
    %get3A_10 = arith.constant 0 : index
    %get3A_11 = vector.load %arg4[%get3A_9, %get3A_10] : memref<1x128xf32, #tpu.memory_space<vmem>>, vector<1x128xf32>
    %get3A_12 = vector.shape_cast %get3A_11 : vector<1x128xf32> to vector<128xf32>
    %broadcast_in_dim3A_13 = vector.shape_cast %get3A_12 : vector<128xf32> to vector<1x128xf32>
    %mul3A = vector.broadcast %broadcast_in_dim3A : vector<4096x1xf32> to vector<4096x128xf32>
    %mul3A_14 = vector.broadcast %broadcast_in_dim3A_13 : vector<1x128xf32> to vector<4096x128xf32>
    %mul3A_15 = arith.mulf %mul3A, %mul3A_14 : vector<4096x128xf32>
    %broadcast_in_dim3A_16 = vector.shape_cast %get3A_8 : vector<4096xf32> to vector<4096x1xf32>
    %get3A_17 = arith.constant 0 : index
    %get3A_18 = arith.constant 0 : index
    %get3A_19 = vector.load %arg6[%get3A_17, %get3A_18] : memref<1x128xf32, #tpu.memory_space<vmem>>, vector<1x128xf32>
    %get3A_20 = vector.shape_cast %get3A_19 : vector<1x128xf32> to vector<128xf32>
    %broadcast_in_dim3A_21 = vector.shape_cast %get3A_20 : vector<128xf32> to vector<1x128xf32>
    %mul3A_22 = vector.broadcast %broadcast_in_dim3A_16 : vector<4096x1xf32> to vector<4096x128xf32>
    %mul3A_23 = vector.broadcast %broadcast_in_dim3A_21 : vector<1x128xf32> to vector<4096x128xf32>
    %mul3A_24 = arith.mulf %mul3A_22, %mul3A_23 : vector<4096x128xf32>
    %add3A = arith.addf %mul3A_15, %mul3A_24 : vector<4096x128xf32>
    %get3A_25 = arith.constant 0 : index
    %get3A_26 = arith.constant 0 : index
    %get3A_27 = vector.load %arg5[%get3A_25, %get3A_26] : memref<1x128xf32, #tpu.memory_space<vmem>>, vector<1x128xf32>
    %get3A_28 = vector.shape_cast %get3A_27 : vector<1x128xf32> to vector<128xf32>
    %broadcast_in_dim3A_29 = vector.shape_cast %get3A_28 : vector<128xf32> to vector<1x128xf32>
    %add3A_30 = vector.broadcast %broadcast_in_dim3A_29 : vector<1x128xf32> to vector<4096x128xf32>
    %add3A_31 = arith.addf %add3A, %add3A_30 : vector<4096x128xf32>
    %max3A = arith.constant 0.000000e+00 : f32
    %max3A_32 = vector.broadcast %max3A : f32 to vector<4096x128xf32>
    %max3A_33 = arith.maximumf %add3A_31, %max3A_32 : vector<4096x128xf32>
    %get3A_34 = arith.constant 0 : index
    %get3A_35 = arith.constant 0 : index
    %get3A_36 = vector.load %arg3[%get3A_34, %get3A_35] : memref<1x4096xi32, #tpu.memory_space<vmem>>, vector<1x4096xi32>
    %get3A_37 = vector.shape_cast %get3A_36 : vector<1x4096xi32> to vector<4096xi32>
    %iota3A = tpu.iota {dimensions = array<i32: 0>} : vector<256x1xi32>
    %broadcast_in_dim3A_38 = vector.shape_cast %get3A_37 : vector<4096xi32> to vector<1x4096xi32>
    %eq3A_39 = vector.broadcast %broadcast_in_dim3A_38 : vector<1x4096xi32> to vector<256x4096xi32>
    %eq3A_40 = vector.broadcast %iota3A : vector<256x1xi32> to vector<256x4096xi32>
    %eq3A_41 = arith.cmpi eq, %eq3A_39, %eq3A_40 : vector<256x4096xi32>
    %convert_element_type3A_42 = arith.extui %eq3A_41 : vector<256x4096xi1> to vector<256x4096xi32>
    %convert_element_type3A_43 = arith.sitofp %convert_element_type3A_42 : vector<256x4096xi32> to vector<256x4096xf32>
    %convert_element_type3A_44 = arith.truncf %convert_element_type3A_43 : vector<256x4096xf32> to vector<256x4096xbf16>
    %get3A_45 = arith.constant 0 : index
    %get3A_46 = arith.constant 0 : index
    %get3A_47 = vector.load %arg10[%get3A_45, %get3A_46] : memref<256x128xf32, #tpu.memory_space<vmem>>, vector<256x128xf32>
    %convert_element_type3A_48 = arith.truncf %max3A_33 : vector<4096x128xf32> to vector<4096x128xbf16>
    %dot_general3A = arith.constant dense<0.000000e+00> : vector<256x128xf32>
    %dot_general3A_49 = tpu.matmul %convert_element_type3A_44, %convert_element_type3A_48, %dot_general3A {dimension_numbers = #tpu.dot_dimension_numbers<[1], [0], [0], [1], [0, 0, 1, 1], [], []>, transpose_lhs_hint = false} : vector<256x4096xbf16>, vector<4096x128xbf16>, vector<256x128xf32> -> vector<256x128xf32>
    %add3A_50 = arith.addf %get3A_47, %dot_general3A_49 : vector<256x128xf32>
    %swap3A = arith.constant 0 : index
    %swap3A_51 = arith.constant 0 : index
    %swap3A_52 = vector.load %arg10[%swap3A, %swap3A_51] : memref<256x128xf32, #tpu.memory_space<vmem>>, vector<256x128xf32>
    tpu.vector_store %arg10[%swap3A, %swap3A_51], %add3A_50 {strides = array<i32>} : memref<256x128xf32, #tpu.memory_space<vmem>>, vector<256x128xf32>,
    %convert_element_type3A_53 = arith.extf %convert_element_type3A_44 : vector<256x4096xbf16> to vector<256x4096xf32>
    %reduce_sum3A_54 = arith.constant dense<0.000000e+00> : vector<256xf32>
    %reduce_sum3A_55 = vector.multi_reduction <add>, %convert_element_type3A_53, %reduce_sum3A_54 [1] : vector<256x4096xf32> to vector<256xf32>
    %broadcast_in_dim3A_56 = vector.shape_cast %reduce_sum3A_55 : vector<256xf32> to vector<256x1xf32>
    %get3A_57 = arith.constant 0 : index
    %get3A_58 = arith.constant 0 : index
    %get3A_59 = vector.load %arg11[%get3A_57, %get3A_58] : memref<256x128xf32, #tpu.memory_space<vmem>>, vector<256x128xf32>
    %broadcast_in_dim3A_60 = vector.shape_cast %broadcast_in_dim3A_56 : vector<256x1xf32> to vector<256x1xf32>
    %broadcast_in_dim3A_61 = vector.broadcast %broadcast_in_dim3A_60 : vector<256x1xf32> to vector<256x128xf32>
    %add3A_62 = arith.addf %get3A_59, %broadcast_in_dim3A_61 : vector<256x128xf32>
    %swap3A_63 = arith.constant 0 : index
    %swap3A_64 = arith.constant 0 : index
    %swap3A_65 = vector.load %arg11[%swap3A_63, %swap3A_64] : memref<256x128xf32, #tpu.memory_space<vmem>>, vector<256x128xf32>
    tpu.vector_store %arg11[%swap3A_63, %swap3A_64], %add3A_62 {strides = array<i32>} : memref<256x128xf32, #tpu.memory_space<vmem>>, vector<256x128xf32>,
    %eq3A_66 = arith.constant 24 : i32
    %eq3A_67 = arith.cmpi eq, %arg0, %eq3A_66 : i32
    %convert_element_type3A_68 = arith.extui %eq3A_67 : i1 to i32
    %cond3A_69 = arith.constant 0 : i32
    %cond3A_70 = arith.cmpi ne, %convert_element_type3A_68, %cond3A_69 : i32
    scf.if %cond3A_70 {
      %get3A_71 = arith.constant 0 : index
      %get3A_72 = arith.constant 0 : index
      %get3A_73 = vector.load %arg10[%get3A_71, %get3A_72] : memref<256x128xf32, #tpu.memory_space<vmem>>, vector<256x128xf32>
      %get3A_74 = arith.constant 0 : index
      %get3A_75 = arith.constant 0 : index
      %get3A_76 = vector.load %arg11[%get3A_74, %get3A_75] : memref<256x128xf32, #tpu.memory_space<vmem>>, vector<256x128xf32>
      %max3A_77 = arith.constant 1.000000e+00 : f32
      %max3A_78 = vector.broadcast %max3A_77 : f32 to vector<256x128xf32>
      %max3A_79 = arith.maximumf %get3A_76, %max3A_78 : vector<256x128xf32>
      %div3A = arith.divf %get3A_73, %max3A_79 : vector<256x128xf32>
      %get3A_80 = arith.constant 0 : index
      %get3A_81 = arith.constant 0 : index
      %get3A_82 = vector.load %arg7[%get3A_80, %get3A_81] : memref<128x26xf32, #tpu.memory_space<vmem>>, vector<128x26xf32>
      %dot_general3A_83 = arith.constant dense<0.000000e+00> : vector<256x26xf32>
      %dot_general3A_84 = tpu.matmul %div3A, %get3A_82, %dot_general3A_83 {dimension_numbers = #tpu.dot_dimension_numbers<[1], [0], [0], [1], [0, 0, 1, 1], [], []>, transpose_lhs_hint = false} : vector<256x128xf32>, vector<128x26xf32>, vector<256x26xf32> -> vector<256x26xf32>
      %get3A_85 = arith.constant 0 : index
      %get3A_86 = arith.constant 0 : index
      %get3A_87 = vector.load %arg8[%get3A_85, %get3A_86] : memref<1x26xf32, #tpu.memory_space<vmem>>, vector<1x26xf32>
      %get3A_88 = vector.shape_cast %get3A_87 : vector<1x26xf32> to vector<26xf32>
      %broadcast_in_dim3A_89 = vector.shape_cast %get3A_88 : vector<26xf32> to vector<1x26xf32>
      %add3A_90 = vector.broadcast %broadcast_in_dim3A_89 : vector<1x26xf32> to vector<256x26xf32>
      %add3A_91 = arith.addf %dot_general3A_84, %add3A_90 : vector<256x26xf32>
      %swap3A_92 = arith.constant 0 : index
      %swap3A_93 = arith.constant 0 : index
      %swap3A_94 = vector.load %arg9[%swap3A_92, %swap3A_93] : memref<256x26xf32, #tpu.memory_space<vmem>>, vector<256x26xf32>
      tpu.vector_store %arg9[%swap3A_92, %swap3A_93], %add3A_91 {strides = array<i32>} : memref<256x26xf32, #tpu.memory_space<vmem>>, vector<256x26xf32>,
    } else {
    }
    return
  }
  func.func @transform_0(%arg0: i32) -> (i32, i32) {
    %c0_i32 = arith.constant 0 : i32
    %c0_i32_0 = arith.constant 0 : i32
    return %c0_i32, %arg0 : i32, i32
  }
  func.func @transform_1(%arg0: i32) -> (i32, i32) {
    %c0_i32 = arith.constant 0 : i32
    %c0_i32_0 = arith.constant 0 : i32
    return %c0_i32, %arg0 : i32, i32
  }
  func.func @transform_2(%arg0: i32) -> (i32, i32) {
    %c0_i32 = arith.constant 0 : i32
    %c0_i32_0 = arith.constant 0 : i32
    return %c0_i32, %arg0 : i32, i32
  }
  func.func @transform_3(%arg0: i32) -> (i32, i32) {
    %c0_i32 = arith.constant 0 : i32
    %c0_i32_0 = arith.constant 0 : i32
    %c0_i32_1 = arith.constant 0 : i32
    return %c0_i32, %c0_i32_0 : i32, i32
  }
  func.func @transform_4(%arg0: i32) -> (i32, i32) {
    %c0_i32 = arith.constant 0 : i32
    %c0_i32_0 = arith.constant 0 : i32
    %c0_i32_1 = arith.constant 0 : i32
    return %c0_i32, %c0_i32_0 : i32, i32
  }
  func.func @transform_5(%arg0: i32) -> (i32, i32) {
    %c0_i32 = arith.constant 0 : i32
    %c0_i32_0 = arith.constant 0 : i32
    %c0_i32_1 = arith.constant 0 : i32
    return %c0_i32, %c0_i32_0 : i32, i32
  }
  func.func @transform_6(%arg0: i32) -> (i32, i32) {
    %c0_i32 = arith.constant 0 : i32
    %c0_i32_0 = arith.constant 0 : i32
    %c0_i32_1 = arith.constant 0 : i32
    return %c0_i32, %c0_i32_0 : i32, i32
  }
  func.func @transform_7(%arg0: i32) -> (i32, i32) {
    %c0_i32 = arith.constant 0 : i32
    %c0_i32_0 = arith.constant 0 : i32
    %c0_i32_1 = arith.constant 0 : i32
    return %c0_i32, %c0_i32_0 : i32, i32
  }
  func.func @transform_8(%arg0: i32) -> (i32, i32) {
    %c0_i32 = arith.constant 0 : i32
    %c0_i32_0 = arith.constant 0 : i32
    %c0_i32_1 = arith.constant 0 : i32
    return %c0_i32, %c0_i32_0 : i32, i32
  }
}

</mosaic_0001>

<sc_bundles>
// kernel: kernel.4.cloned.1.call-start
scs
__scs_entry_jumppad:
0x0: {  	(pc) =	sbr.rel $0x88, $3  }
0x1: {  	(tag) =	ssettag $0x0;
	lr =	simm.s32 $0x1  }
0x2: {  	[smem:$0x3F99] =	sst lr;
	_ =	strace $0xD0000000  }
0x3: {  	_ = 	snop  }
0x4: {  	_ = 	snop  }
0x5: {  	_ = 	snop  }
0x6: {  	_ = 	snop  }
0x7: {  	_ = 	snop  }
__scs_overlays_trampoline_lowered:
0x8: {  	[smem:$0x3FA8] =	sst s0  }
0x9: {  	[smem:$0x3FA9] =	sst s1  }
0xa: {  	[smem:$0x3FAA] =	sst s2  }
0xb: {  	[smem:$0x3FAB] =	sst s3  }
0xc: {  	[smem:$0x3FAC] =	sst s4  }
0xd: {  	[smem:$0x3FAD] =	sst s5  }
0xe: {  	[smem:$0x3FAE] =	sst s6  }
0xf: {  	[smem:$0x3FAF] =	sst s7  }
0x10: {  	[smem:$0x3FB0] =	sst s8  }
0x11: {  	[smem:$0x3FB1] =	sst s9;
	s0 =	simm.s32 @!p0 $0x0  }
0x12: {  	s1 =	sld [smem:$0x3F97];
	s0 =	simm.s32 @p0 $0x1  }
0x13: {  	[smem:$0x3FB2] =	sst s0;
	s0 =	simm.s32 @!p1 $0x0  }
0x14: {  	s2 =	sld [smem:$0x3F96];
	s0 =	simm.s32 @p1 $0x1  }
0x15: {  	[smem:$0x3FB3] =	sst s0;
	s0 =	simm.s32 @!p2 $0x0  }
0x16: {  	s3 =	sld [smem:$0x3FDB];
	s0 =	simm.s32 @p2 $0x1  }
0x17: {  	s4 =	simm.s32 $0x1BF5;
	[smem:$0x3FB5] =	sst s0  }
0x18: {  	s0 =	sld [smem:$0x3F98];
	_ =	swait.ge [sflag:s4], $0x0  }
0x19: {  	s7 =	sld [smem:$0x3F99]  }
0x1a: {  	s8 =	sadd.s32 $0xFFFFE003, lr  }
0x1b: {  	s9 =	sadd.s32 $0xFFFFFEF7, lr;
	s5 =	simm.s32 $0xFFFFFFFF;
	p2 =	slt.u32 s8, $0xFFFFF086  }
0x1c: {  	p1 =	slt.u32 s9, $0xF7A;
	s5 =	simm.s32 @!p2 $0x0  }
0x1d: {  	s5 =	simm.s32 @p1 $0x1;
	p0 =	seq.s32 s7, s2  }
0x1e: {  	s7 =	smul.u32 @!p0 $0xF7A, s2;
	p2 =	seq.s32 @!p0 s5, $0x0  }
0x1f: {  	s9 =	smul.u32 $0xF7A, s1;
	s8 =	simm.s32 @!p0 $0x1BF5;
	p2 =	por !p2, p0  }
0x20: {  	[sflag:s8] =	ssyncset.s32 @!p0 $0xFFFFF086;
	s6 =	sadd.s32 @!p0 s3, s7;
	s7 =	simm.s32 @!p0 $0x108  }
0x21: {  	s3 =	sadd.s32 s3, s9;
	s6 =	sadd.s32 @!p0 $0x88, s6;
	s7 =	simm.s32 @p2 $0x1082  }
0x22: {  	[simem:s7], [sflag:s8] =	dma.local @!p0 [hbm:s6], $0xF7A  }
0x23: {  	s9 =	sor.u32 $0xD0000000, s2;
	s6 =	simm.s32 $0x108;
	_ =	swait.ge @!p0 [sflag:s8], $0x0  }
0x24: {  	s3 =	sadd.s32 $0x88, s3;
	s6 =	simm.s32 @!p1 $0x1082;
	[sflag:s4] =	ssyncset.s32 $0xFFFFF086  }
0x25: {  	[simem:s6], [sflag:s4] =	dma.local [hbm:s3], $0xF7A  }
0x26: {  	[smem:$0x3F99] =	sst s1;
	(tag) =	ssettag s2;
	_ =	strace s9  }
0x27: {  	s1 =	sld [smem:$0x3FA9]  }
0x28: {  	s2 =	sld [smem:$0x3FAA]  }
0x29: {  	s4 =	sld [smem:$0x3FAC]  }
0x2a: {  	p0 =	seq.s32 s5, $0x0;
	s5 =	sld [smem:$0x3FAD]  }
0x2b: {  	s6 =	sld [smem:$0x3FAE]  }
0x2c: {  	s7 =	sld [smem:$0x3FAF]  }
0x2d: {  	s3 =	simm.s32 $0x108;
	s8 =	sld [smem:$0x3FB0]  }
0x2e: {  	s3 =	simm.s32 @!p0 $0x1082;
	s9 =	sld [smem:$0x3FB1]  }
0x2f: {  	lr =	sadd.s32 s0, s3;
	s0 =	sld [smem:$0x3FA8]  }
0x30: {  	s3 =	sld [smem:$0x3FAB]  }
0x31: {  	[smem:$0x3FB4] =	sst s10  }
0x32: {  	s10 =	sld [smem:$0x3FB2];
	_ =	sdelay $0x3  }
0x33: {  	p0 =	seq.s32 s10, $0x1;
	s10 =	sld [smem:$0x3FB4];
	_ =	sdelay $0x3  }
0x34: {  	[smem:$0x3FB4] =	sst s10  }
0x35: {  	s10 =	sld [smem:$0x3FB3];
	_ =	sdelay $0x3  }
0x36: {  	p1 =	seq.s32 s10, $0x1;
	s10 =	sld [smem:$0x3FB4];
	_ =	sdelay $0x3  }
0x37: {  	[smem:$0x3FB4] =	sst s10  }
0x38: {  	s10 =	sld [smem:$0x3FB5]  }
0x39: {  	_ = 	snop;
	(pc) =	sbr.ind lr, $3  }
0x3a: {  	_ = 	snop  }
0x3b: {  	_ = 	snop  }
0x3c: {  	p2 =	seq.s32 s10, $0x1;
	s10 =	sld [smem:$0x3FB4]  }
0x3d: {  	_ =	shalt  }
0x3e: {  	_ =	shalt  }
0x3f: {  	_ =	shalt  }
0x40: {  	_ =	shalt  }
0x41: {  	_ =	shalt  }
0x42: {  	_ =	shalt  }
0x43: {  	_ =	shalt  }
0x44: {  	_ =	shalt  }
0x45: {  	_ =	shalt  }
0x46: {  	_ =	shalt  }
0x47: {  	_ =	shalt  }
0x48: {  	_ =	shalt  }
0x49: {  	_ =	shalt  }
0x4a: {  	_ =	shalt  }
0x4b: {  	_ =	shalt  }
0x4c: {  	_ =	shalt  }
0x4d: {  	_ =	shalt  }
0x4e: {  	_ =	shalt  }
0x4f: {  	_ =	shalt  }
0x50: {  	_ =	shalt  }
0x51: {  	_ =	shalt  }
0x52: {  	_ =	shalt  }
0x53: {  	_ =	shalt  }
0x54: {  	_ =	shalt  }
0x55: {  	_ =	shalt  }
0x56: {  	_ =	shalt  }
0x57: {  	_ =	shalt  }
0x58: {  	_ =	shalt  }
0x59: {  	_ =	shalt  }
0x5a: {  	_ =	shalt  }
0x5b: {  	_ =	shalt  }
0x5c: {  	_ =	shalt  }
0x5d: {  	_ =	shalt  }
0x5e: {  	_ =	shalt  }
0x5f: {  	_ =	shalt  }
0x60: {  	_ =	shalt  }
0x61: {  	_ =	shalt  }
0x62: {  	_ =	shalt  }
0x63: {  	_ =	shalt  }
0x64: {  	_ =	shalt  }
0x65: {  	_ =	shalt  }
0x66: {  	_ =	shalt  }
0x67: {  	_ =	shalt  }
0x68: {  	_ =	shalt  }
0x69: {  	_ =	shalt  }
0x6a: {  	_ =	shalt  }
0x6b: {  	_ =	shalt  }
0x6c: {  	_ =	shalt  }
0x6d: {  	_ =	shalt  }
0x6e: {  	_ =	shalt  }
0x6f: {  	_ =	shalt  }
0x70: {  	_ =	shalt  }
0x71: {  	_ =	shalt  }
0x72: {  	_ =	shalt  }
0x73: {  	_ =	shalt  }
0x74: {  	_ =	shalt  }
0x75: {  	_ =	shalt  }
0x76: {  	_ =	shalt  }
0x77: {  	_ =	shalt  }
0x78: {  	_ =	shalt  }
0x79: {  	_ =	shalt  }
0x7a: {  	_ =	shalt  }
0x7b: {  	_ =	shalt  }
0x7c: {  	_ =	shalt  }
0x7d: {  	_ =	shalt  }
0x7e: {  	_ =	shalt  }
0x7f: {  	_ =	shalt  }
0x80: {  	_ =	shalt  }
0x81: {  	_ =	shalt  }
0x82: {  	_ =	shalt  }
0x83: {  	_ =	shalt  }
0x84: {  	_ =	shalt  }
0x85: {  	_ =	shalt  }
0x86: {  	_ =	shalt  }
0x87: {  	_ =	shalt  }
.Lfunc_end0:
.L_simem_size_0:
called_computation_lowered:
.L_overlay_start_0:
0x88: {  	s2 =	sld [smem:$0x3FD9]  }
0x89: {  	s3 =	sld [smem:$0x3FFE];
	_ =	sdelay $0x1  }
0x8a: {  	s1 =	srdreg.scid  }
0x8b: {  	s0 =	sand.u32 $0x1, s1  }
0x8c: {  	s17 =	sshll.u32 s0, $0xA;
	s2 =	sadd.s32 s3, s2  }
0x8d: {  	s2 =	sadd.s32 s2, s17  }
0x8e: {  	[smem:$0x3FC0] =	sst s2  }
0x8f: {  	_ = 	snop  }
0x90: {  	s2 =	sld [smem:$0x3FC8];
	(tm) =	ssettm $0x1  }
0x91: {  	s18 =	sld [smem:$0x3FFB];
	_ =	sdelay $0x3  }
0x92: {  	_ =	strace s18  }
0x93: {  	s3 =	sld [smem:$0x3FFC];
	_ =	sdelay $0x3  }
0x94: {  	_ =	strace s3  }
0x95: {  	s3 =	sld [smem:$0x3FFD];
	_ =	sdelay $0x3  }
0x96: {  	_ =	strace s3  }
0x97: {  	_ =	strace $0x8FFFFFFF  }
0x98: {  	s19 =	sld [smem:$0x3FDB];
	_ =	sdelay $0x1  }
0x99: {  	s4 =	simm.s32 $_scs_section_size  }
0x9a: {  	s5 =	simm.s32 $_size__tile_overlayer_lowered;
	s6 =	simm.s32 $_tile_overlayer_lowered  }
0x9b: {  	s22 =	simm.s32 $0x1BFF;
	s21 =	sshll.u32 s6, $0x1;
	s3 =	sadd.s32 s4, s19  }
0x9c: {  	s7 =	simm.s32 $0x0;
	s20 =	sshll.u32 s5, $0x1;
	s5 =	sadd.s32 s21, s3  }
0x9d: {  	[timem:s7], [sflag:s22] =	dma.local [hbm:s5], s20  }
0x9e: {  	_ =	swait.ge [sflag:s22], s20  }
0x9f: {  	s4 =	ssub.s32 $0x0, s20;
	[sflag:s22] =	ssyncset.done $0x0  }
0xa0: {  	[sflag:s22] =	ssyncadd.s32 s4;
	_ =	sdelay $0x1  }
0xa1: {  	s23 =	simm.s32 $0x1B8B  }
0xa2: {  	_ =	swait.ge [sflag:s23], $0x1  }
0xa3: {  	[sflag:s23] =	ssyncset.done $0x0  }
0xa4: {  	s25 =	simm.s32 $0x1B8E;
	s24 =	sld [smem:$0x3FFE];
	[sflag:s23] =	ssyncadd.s32 $0xFFFFFFFF  }
0xa5: {  	s26 =	simm.s32 $execute0_lowered;
	[smem:$0x3FD2] =	sst s25  }
0xa6: {  	s5 =	sshll.u32 s26, $0x1;
	_ =	strace $0x80000046;
	[dreg:$0x1] =	wrdreg $0xFFFFFFFF  }
0xa7: {  	s28 =	simm.s32 $_size_execute0_lowered;
	s3 =	sadd.s32 s3, s5;
	[dreg:$0x0] =	wrdreg $0x0  }
0xa8: {  	s5 =	sshll.u32 s28, $0x1;
	[dreg:$0x2] =	wrdreg s3  }
0xa9: {  	[dreg:$0x3] =	wrdreg s5  }
0xaa: {  	[dreg:$0x4] =	wrdreg $0xC0  }
0xab: {  	_ =	task [dreg:s7], $0x5FFFF  }
0xac: {  	[dreg:$0x1] =	wrdreg $0xFFFFFFFF  }
0xad: {  	[dreg:$0x0] =	wrdreg $0x60  }
0xae: {  	[dreg:$0x2] =	wrdreg s24  }
0xaf: {  	[dreg:$0x3] =	wrdreg s2  }
0xb0: {  	[dreg:$0x4] =	wrdreg $0x9  }
0xb1: {  	_ =	task.clear_ibuf [dreg:s7], $0x5FFFF;
	_ =	strace $0x90000046  }
0xb2: {  	s29 =	simm.s32 $0x9;
	_ =	strace $0x80000048  }
0xb3: {  	_ =	swait.ge [sflag:s29], $0x1  }
0xb4: {  	[sflag:s29] =	ssyncadd.s32 $0xFFFFFFFF  }
0xb5: {  	_ =	strace $0x90000048  }
0xb6: {  	_ =	sfence  }
0xb7: {  	s30 =	sld [smem:$0x0];
	_ =	sdelay $0x2  }
0xb8: {  	s31 =	sshll.u32 s1, $0xD;
	s1 =	sshrl.u32 s1, $0x2  }
0xb9: {  	s3 =	sand.u32 $0x4000, s31;
	s1 =	sadd.s32 s1, s30  }
0xba: {  	s0 =	sor.u32 s3, s0;
	s1 =	sshll.u32 s1, $0x11  }
0xbb: {  	s0 =	sor.u32 s1, s0  }
0xbc: {  	s0 =	sadd.s32 $0x8F2B, s0  }
0xbd: {  	[sflag:s0] =	ssyncadd.remote.s32 $0x1  }
0xbe: {  	_ =	sfence.sel $0xFFFF  }
0xbf: {  	[dreg:$0x0] =	wrdreg $0xFFFFFFFF;
	(pc) =	sbr.abs _section_cstart, $3  }
0xc0: {  	[dreg:$0x1] =	wrdreg $0xFFFFFFFF  }
0xc1: {  	_ =	task.clear_ibuf [dreg:s7], $0x2FFFF;
	_ =	strace $0x9FFFFFFF  }
0xc2: {  	(tm) =	ssettm $0x7FFFFFFF  }
0xc3: {  	_ =	shalt  }
tec
execute0_lowered:
.L_overlay_start_1:
0x0: {  	(tag) =	ssettag $0x1  }
0x1: {  	s1 =	srdreg.scid  }
0x2: {  	s0 =	stileid.u32;
	s6 =	rddreg [dreg:$0x0]  }
0x3: {  	s3 =	rddreg [dreg:$0x1];
	s13 =	simm.s32 $0x19000;
	s14 =	simm.s32 $0x1  }
0x4: {  	s15 =	simm.s32 $0x2;
	s16 =	simm.s32 $0x1C200;
	s17 =	simm.s32 $0x3  }
0x5: {  	s18 =	simm.s32 $0x1CE80;
	s19 =	simm.s32 $0x4;
	s20 =	simm.s32 $0x5  }
0x6: {  	s21 =	simm.s32 $0x80;
	s22 =	simm.s32 $0x400;
	s23 =	simm.s32 $0x6  }
0x7: {  	s1 =	sand.u32 $0x1, s1;
	s2 =	sshll.u32 s0, $0x1;
	s4 =	sshrl.u32 s0, $0x2  }
0x8: {  	s24 =	simm.s32 $0x0;
	s2 =	sor.u32 s1, s2;
	s5 =	smul.u32 $0xC8000, s4  }
0x9: {  	s4 =	simm.s32 $0x0;
	s1 =	ssub.s32 $0x2, s1;
	s7 =	sshll.u32 s2, $0x7  }
0xa: {  	[smem:$0x7FF] =	sst s4;
	s8 =	smul.u32 $0x320, s2;
	s30 =	sshrl.u32 s1, $0x1  }
0xb: {  	s9 =	ssub.s32 $0x7EF, s2;
	s11 =	smul.u32 $0x190, s2;
	s7 =	sand.u32 $0x380, s7  }
.Ltmp0:
0xc: {  	_ =	strace $0x80000047;
	s7 =	sor.u32 s5, s7;
	(pc) =	sbr.rel .LBB2_1-.Ltmp0, $4  }
0xd: {  	s1 =	ssub.s32 s1, s30;
	s5 =	sadd.s32 $0x1400, s6;
	s7 =	sshrl.u32 s7, $0x3  }
0xe: {  	s8 =	sadd.s32 s3, s8;
	s10 =	sadd.s32 s7, s6;
	s7 =	sshrl.u32 s9, $0x5  }
0xf: {  	s12 =	smax.u32 s1, $0x1;
	s6 =	sadd.s32 $0x4600, s6;
	s31 =	sadd.s32 $0x1, s7  }
0x10: {  	v0 =	vimm.f32 $0.0e+00;
	s9 =	sadd.s32 s6, s11;
	s10 =	sadd.s32 $0xC7C00, s10;
	s11 =	sshrl.u32 s31, $0x1  }
.LBB2_18:
0x11: {  	s24 =	sadd.s32 $0x1, s24  }
0x12: {  	p0 =	sne.s32 s24, s12  }
.Ltmp1:
0x13: {  	_ = 	snop;
	(pc) =	sbr.rel @!p0 .LBB2_19-.Ltmp1, $4  }
0x14: {  	[hbm4b:s10+s21] =	stream.strided.scatter [tilespmem:s4], [sflag:$0x6], $0x19000, s22, s21, $0x38;
	[tilespmem:$0x1DB00] =	vst v63  }
0x15: {  	_ =	swait.ge [sflag:s23], $0x19000  }
0x16: {  	[sflag:s23] =	ssyncset.done $0x0  }
0x17: {  	[sflag:s23] =	ssyncadd.s32 $0xFFFE7000  }
.LBB2_1:
0x18: {  	[tilespmem:s4], [sflag:$0x1] =	stream.linear.gather [hbm4b:s5+s4], $0x186A0, $0x38;
	[tilespmem:$0x1DB00] =	vst v63  }
.Ltmp2:
0x19: {  	_ = 	snop;
	(pc) =	sbr.rel .LBB2_2-.Ltmp2, $4  }
0x1a: {  	[tilespmem:s13], [sflag:$0x2] =	stream.linear.gather [hbm4b:s8+s4], $0x1900, $0x38;
	[tilespmem:$0x1DB00] =	vst v63  }
0x1b: {  	_ =	swait.ge [sflag:s14], $0x186A0  }
0x1c: {  	[sflag:s14] =	ssyncset.done $0x0  }
0x1d: {  	s25 =	simm.s32 $0x0;
	[sflag:s14] =	ssyncadd.s32 $0xFFFE7960  }
.LBB2_8:
0x1e: {  	s25 =	sadd.s32 $0x1, s25  }
0x1f: {  	p0 =	sne.s32 s25, s11  }
.Ltmp3:
0x20: {  	_ = 	snop;
	(pc) =	sbr.rel @!p0 .LBB2_9-.Ltmp3, $1  }
0x21: {  	_ =	sdelay $0x3  }
.LBB2_2:
0x22: {  	s26 =	sshllo.u32 s25, $0x1  }
0x23: {  	p0 =	sge.u32 s26, s7  }
0x24: {  	s1 =	sshll.u32 @!p0 s26, $0x5  }
0x25: {  	s1 =	sor.u32 @!p0 s2, s1  }
0x26: {  	s1 =	smul.u32 @!p0 $0x320, s1;
	_ =	sdelay $0x1  }
0x27: {  	s28 =	simm.s32 @!p0 $0x0;
	s29 =	simm.s32 @!p0 $0x1A900;
	s1 =	sadd.s32 @!p0 s3, s1  }
0x28: {  	[tilespmem:s29], [sflag:$0x3] =	stream.linear.gather @!p0 [hbm4b:s1+s28], $0x1900, $0x38;
	[tilespmem:$0x1DB00] =	vst v63  }
0x29: {  	_ =	swait.ge [sflag:s15], $0x1900  }
0x2a: {  	p1 =	seq.s32 s25, $0x0;
	[sflag:s15] =	ssyncset.done $0x0  }
0x2b: {  	s1 =	simm.s32 @!p1 $0x4;
	[sflag:s15] =	ssyncadd.s32 $0xFFFFE700  }
0x2c: {  	_ =	swait.ge @!p1 [sflag:s1], $0xC80  }
0x2d: {  	[sflag:s1] =	ssyncset.done @!p1 $0x0  }
0x2e: {  	[sflag:s1] =	ssyncadd.s32 @!p1 $0xFFFFF380;
	s1 =	simm.s32 $0x19040  }
0x2f: {  	v1 =	vld [tilespmem:s1+$0x30]  }
0x30: {  	v2 =	vld [tilespmem:s1+$0xFFFFFFD0]  }
0x31: {  	v3 =	vld [tilespmem:s1+$0xFFFFFFE0]  }
0x32: {  	v4 =	vld [tilespmem:s1+$0xFFFFFFF0]  }
0x33: {  	v5 =	vld [tilespmem:s1+$0x0]  }
0x34: {  	v7 =	vld [tilespmem:s1+$0x10]  }
0x35: {  	v8 =	vld [tilespmem:s1+$0x20]  }
0x36: {  	v9 =	vld [tilespmem:s1+$0xFFFFFFC0]  }
0x37: {  	v10 =	vld.idx.msk [tilespmem:v1+s4+$0x0], $0xffff  }
0x38: {  	v11 =	vld.idx.msk [tilespmem:v2+s4+$0x0], $0xffff  }
0x39: {  	v6 =	vld.idx.msk [tilespmem:v3+s4+$0x0], $0xffff  }
0x3a: {  	v4 =	vld.idx.msk [tilespmem:v4+s4+$0x0], $0xffff  }
0x3b: {  	v1 =	vld.idx.msk [tilespmem:v5+s4+$0x0], $0xffff  }
0x3c: {  	s28 =	simm.s32 $0x1C240;
	s1 =	sshll.u32 s25, $0x6;
	v2 =	vld.idx.msk [tilespmem:v7+s4+$0x0], $0xffff  }
0x3d: {  	s30 =	sshll.u32 s25, $0x1;
	s1 =	sor.u32 s2, s1;
	v3 =	vld.idx.msk [tilespmem:v8+s4+$0x0], $0xffff;
	[tilespmem:s28+$0x30] =	vst v10  }
0x3e: {  	s31 =	simm.s32 $0x0;
	s29 =	smul.u32 $0xC80, s1;
	s1 =	simm.s32 $0x19140;
	v5 =	vld.idx.msk [tilespmem:v9+s4+$0x0], $0xffff;
	[tilespmem:s28+$0xFFFFFFD0] =	vst v11  }
.LBB2_3:
0x3f: {  	v7 =	vld [tilespmem:s1+$0x30];
	s31 =	sadd.s32 $0x8, s31;
	[tilespmem:s28+$0xFFFFFFE0] =	vst v6  }
0x40: {  	v6 =	vld [tilespmem:s1+$0xFFFFFFD0];
	p2 =	slt.u32 s31, $0xC0;
	[tilespmem:s28+$0xFFFFFFF0] =	vst v4  }
0x41: {  	v4 =	vld [tilespmem:s1+$0xFFFFFFE0];
	[tilespmem:s28+$0x0] =	vst v1  }
0x42: {  	v1 =	vld [tilespmem:s1+$0xFFFFFFF0];
	[tilespmem:s28+$0x10] =	vst v2  }
0x43: {  	v2 =	vld [tilespmem:s1+$0x0];
	[tilespmem:s28+$0x20] =	vst v3  }
0x44: {  	v3 =	vld [tilespmem:s1+$0x10];
	[tilespmem:s28+$0xFFFFFFC0] =	vst v5  }
0x45: {  	v5 =	vld [tilespmem:s1+$0x20]  }
0x46: {  	v8 =	vld [tilespmem:s1+$0xFFFFFFC0]  }
0x47: {  	v7 =	vld.idx.msk [tilespmem:v7+s4+$0x0], $0xffff  }
0x48: {  	v9 =	vld.idx.msk [tilespmem:v6+s4+$0x0], $0xffff  }
0x49: {  	v6 =	vld.idx.msk [tilespmem:v4+s4+$0x0], $0xffff  }
.Ltmp4:
0x4a: {  	v4 =	vld.idx.msk [tilespmem:v1+s4+$0x0], $0xffff;
	(pc) =	sbr.rel @p2 .LBB2_3-.Ltmp4, $4  }
0x4b: {  	v1 =	vld.idx.msk [tilespmem:v2+s4+$0x0], $0xffff  }
0x4c: {  	s28 =	sadd.s32 $0x80, s28;
	v2 =	vld.idx.msk [tilespmem:v3+s4+$0x0], $0xffff  }
0x4d: {  	v3 =	vld.idx.msk [tilespmem:v5+s4+$0x0], $0xffff;
	[tilespmem:s28+$0x30] =	vst v7  }
0x4e: {  	s1 =	sadd.s32 $0x100, s1;
	v5 =	vld.idx.msk [tilespmem:v8+s4+$0x0], $0xffff;
	[tilespmem:s28+$0xFFFFFFD0] =	vst v9  }
0x4f: {  	[tilespmem:s28+$0xFFFFFFE0] =	vst v6  }
0x50: {  	[tilespmem:s28+$0xFFFFFFF0] =	vst v4;
	s1 =	sadd.s32 $0x2, s30  }
0x51: {  	[tilespmem:s28+$0x0] =	vst v1;
	p2 =	sge.u32 s1, s7  }
0x52: {  	[tilespmem:s28+$0x10] =	vst v2;
	s1 =	sshll.u32 @!p2 s1, $0x5  }
.Ltmp5:
0x53: {  	s29 =	sshrl.u32 s29, $0x3;
	[tilespmem:s28+$0x20] =	vst v3;
	s1 =	sor.u32 @!p2 s2, s1;
	(pc) =	sbr.rel @p0 .LBB2_8-.Ltmp5, $4  }
0x54: {  	s31 =	sadd.s32 s6, s29;
	[tilespmem:s28+$0xFFFFFFC0] =	vst v5;
	s1 =	smul.u32 @!p2 $0x320, s1  }
0x55: {  	[hbm4b:s31+s4] =	stream.linear.scatter [tilespmem:s16], [sflag:$0x4], $0xC80, $0x38;
	[tilespmem:$0x1DB00] =	vst v63  }
0x56: {  	s29 =	simm.s32 @!p2 $0x19000;
	s28 =	simm.s32 @!p2 $0x0;
	s1 =	sadd.s32 @!p2 s3, s1  }
0x57: {  	[tilespmem:s29], [sflag:$0x2] =	stream.linear.gather @!p2 [hbm4b:s1+s28], $0x1900, $0x38;
	[tilespmem:$0x1DB00] =	vst v63  }
0x58: {  	_ =	swait.ge [sflag:s17], $0x1900  }
0x59: {  	[sflag:s17] =	ssyncset.done $0x0  }
0x5a: {  	s1 =	simm.s32 @!p1 $0x5;
	[sflag:s17] =	ssyncadd.s32 $0xFFFFE700  }
0x5b: {  	_ =	swait.ge @!p1 [sflag:s1], $0xC80  }
0x5c: {  	[sflag:s1] =	ssyncset.done @!p1 $0x0  }
0x5d: {  	s30 =	simm.s32 $0x1A940;
	[sflag:s1] =	ssyncadd.s32 @!p1 $0xFFFFF380  }
0x5e: {  	v1 =	vld [tilespmem:s30+$0x30]  }
0x5f: {  	v2 =	vld [tilespmem:s30+$0xFFFFFFD0]  }
0x60: {  	v3 =	vld [tilespmem:s30+$0xFFFFFFE0]  }
0x61: {  	v4 =	vld [tilespmem:s30+$0xFFFFFFF0]  }
0x62: {  	v6 =	vld [tilespmem:s30+$0x0]  }
0x63: {  	v7 =	vld [tilespmem:s30+$0x10]  }
0x64: {  	v8 =	vld [tilespmem:s30+$0x20]  }
0x65: {  	v9 =	vld [tilespmem:s30+$0xFFFFFFC0]  }
0x66: {  	v10 =	vld.idx.msk [tilespmem:v1+s4+$0x0], $0xffff  }
0x67: {  	v11 =	vld.idx.msk [tilespmem:v2+s4+$0x0], $0xffff  }
0x68: {  	v5 =	vld.idx.msk [tilespmem:v3+s4+$0x0], $0xffff  }
0x69: {  	v4 =	vld.idx.msk [tilespmem:v4+s4+$0x0], $0xffff  }
0x6a: {  	v1 =	vld.idx.msk [tilespmem:v6+s4+$0x0], $0xffff  }
0x6b: {  	s28 =	simm.s32 $0x1CEC0;
	v2 =	vld.idx.msk [tilespmem:v7+s4+$0x0], $0xffff  }
0x6c: {  	s31 =	sshll.u32 s26, $0x5;
	v3 =	vld.idx.msk [tilespmem:v8+s4+$0x0], $0xffff;
	[tilespmem:s28+$0x30] =	vst v10  }
0x6d: {  	s29 =	simm.s32 $0x0;
	s26 =	sor.u32 s2, s31;
	s1 =	simm.s32 $0x1AA40;
	v6 =	vld.idx.msk [tilespmem:v9+s4+$0x0], $0xffff;
	[tilespmem:s28+$0xFFFFFFD0] =	vst v11  }
.LBB2_6:
0x6e: {  	v7 =	vld [tilespmem:s1+$0x30];
	s29 =	sadd.s32 $0x8, s29;
	[tilespmem:s28+$0xFFFFFFE0] =	vst v5  }
0x6f: {  	v5 =	vld [tilespmem:s1+$0xFFFFFFD0];
	p0 =	slt.u32 s29, $0xC0;
	[tilespmem:s28+$0xFFFFFFF0] =	vst v4  }
0x70: {  	v4 =	vld [tilespmem:s1+$0xFFFFFFE0];
	[tilespmem:s28+$0x0] =	vst v1  }
0x71: {  	v1 =	vld [tilespmem:s1+$0xFFFFFFF0];
	[tilespmem:s28+$0x10] =	vst v2  }
0x72: {  	v2 =	vld [tilespmem:s1+$0x0];
	[tilespmem:s28+$0x20] =	vst v3  }
0x73: {  	v3 =	vld [tilespmem:s1+$0x10];
	[tilespmem:s28+$0xFFFFFFC0] =	vst v6  }
0x74: {  	v6 =	vld [tilespmem:s1+$0x20]  }
0x75: {  	v8 =	vld [tilespmem:s1+$0xFFFFFFC0]  }
0x76: {  	v7 =	vld.idx.msk [tilespmem:v7+s4+$0x0], $0xffff  }
0x77: {  	v9 =	vld.idx.msk [tilespmem:v5+s4+$0x0], $0xffff  }
0x78: {  	v5 =	vld.idx.msk [tilespmem:v4+s4+$0x0], $0xffff  }
.Ltmp6:
0x79: {  	v4 =	vld.idx.msk [tilespmem:v1+s4+$0x0], $0xffff;
	(pc) =	sbr.rel @p0 .LBB2_6-.Ltmp6, $4  }
0x7a: {  	v1 =	vld.idx.msk [tilespmem:v2+s4+$0x0], $0xffff  }
0x7b: {  	s28 =	sadd.s32 $0x80, s28;
	v2 =	vld.idx.msk [tilespmem:v3+s4+$0x0], $0xffff  }
0x7c: {  	v3 =	vld.idx.msk [tilespmem:v6+s4+$0x0], $0xffff;
	[tilespmem:s28+$0x30] =	vst v7  }
0x7d: {  	s1 =	sadd.s32 $0x100, s1;
	v6 =	vld.idx.msk [tilespmem:v8+s4+$0x0], $0xffff;
	[tilespmem:s28+$0xFFFFFFD0] =	vst v9  }
0x7e: {  	[tilespmem:s28+$0xFFFFFFE0] =	vst v5  }
0x7f: {  	[tilespmem:s28+$0xFFFFFFF0] =	vst v4  }
.Ltmp7:
0x80: {  	[tilespmem:s28+$0x0] =	vst v1;
	(pc) =	sbr.rel .LBB2_8-.Ltmp7, $4  }
0x81: {  	s1 =	smul.u32 $0x190, s26;
	[tilespmem:s28+$0x10] =	vst v2  }
0x82: {  	[tilespmem:s28+$0x20] =	vst v3  }
0x83: {  	s1 =	sadd.s32 s6, s1;
	[tilespmem:s28+$0xFFFFFFC0] =	vst v6  }
0x84: {  	[hbm4b:s1+s4] =	stream.linear.scatter [tilespmem:s18], [sflag:$0x5], $0xC80, $0x38;
	[tilespmem:$0x1DB00] =	vst v63  }
.LBB2_9:
0x85: {  	_ =	swait.ge [sflag:s19], $0xC80  }
0x86: {  	[sflag:s19] =	ssyncset.done $0x0  }
0x87: {  	[sflag:s19] =	ssyncadd.s32 $0xFFFFF380  }
0x88: {  	_ =	swait.ge [sflag:s20], $0xC80  }
0x89: {  	[sflag:s20] =	ssyncset.done $0x0  }
0x8a: {  	s25 =	simm.s32 $0x0;
	[sflag:s20] =	ssyncadd.s32 $0xFFFFF380  }
0x8b: {  	[tilespmem:s13], [sflag:$0x2] =	stream.linear.gather [hbm4b:s8+s25], $0x1900, $0x38;
	[tilespmem:$0x1DB00] =	vst v63  }
0x8c: {  	s1 =	simm.s32 $0x0;
	s26 =	simm.s32 $0x200  }
0x8d: {  	[tilespmem:s16], [sflag:$0x4] =	stream.linear.gather [hbm4b:s9+s25], $0xC80, $0x38;
	[tilespmem:$0x1DB00] =	vst v63  }
.LBB2_10:
0x8e: {  	p0 =	sne.s32 s26, $0x63E00;
	[tilespmem:s1+$0x70] =	vst v0  }
0x8f: {  	[tilespmem:s1+$0x0] =	vst v0  }
0x90: {  	[tilespmem:s1+$0x10] =	vst v0  }
.Ltmp8:
0x91: {  	[tilespmem:s1+$0x20] =	vst v0;
	(pc) =	sbr.rel @p0 .LBB2_10-.Ltmp8, $4  }
0x92: {  	[tilespmem:s1+$0x30] =	vst v0  }
0x93: {  	[tilespmem:s1+$0x40] =	vst v0  }
0x94: {  	[tilespmem:s1+$0x50] =	vst v0  }
0x95: {  	[tilespmem:s1+$0x60] =	vst v0;
	s1 =	sshra.s32 s26, $0x2;
	s26 =	sadd.s32 $0x200, s26  }
0x96: {  	[tilespmem:s1+$0x70] =	vst v0  }
0x97: {  	[tilespmem:s1+$0x0] =	vst v0  }
0x98: {  	[tilespmem:s1+$0x10] =	vst v0  }
.Ltmp9:
0x99: {  	[tilespmem:s1+$0x20] =	vst v0;
	(pc) =	sbr.rel .LBB2_12-.Ltmp9, $4  }
0x9a: {  	[tilespmem:s1+$0x30] =	vst v0  }
0x9b: {  	[tilespmem:s1+$0x40] =	vst v0  }
0x9c: {  	[tilespmem:s1+$0x50] =	vst v0  }
0x9d: {  	[tilespmem:s1+$0x60] =	vst v0  }
.LBB2_17:
0x9e: {  	s25 =	sadd.s32 $0x1, s25  }
0x9f: {  	p0 =	sne.s32 s25, s11  }
.Ltmp10:
0xa0: {  	_ = 	snop;
	(pc) =	sbr.rel @!p0 .LBB2_18-.Ltmp10, $1  }
0xa1: {  	_ =	sdelay $0x3  }
.LBB2_12:
0xa2: {  	s1 =	sshllo.u32 s25, $0x1  }
0xa3: {  	p0 =	sge.u32 s1, s7  }
0xa4: {  	s1 =	sshll.u32 @!p0 s1, $0x5  }
0xa5: {  	s1 =	sor.u32 @!p0 s2, s1  }
0xa6: {  	s26 =	smul.u32 @!p0 $0x320, s1  }
0xa7: {  	s28 =	simm.s32 @!p0 $0x0  }
0xa8: {  	s29 =	simm.s32 @!p0 $0x1A900;
	s1 =	smul.u32 @!p0 $0x190, s1;
	s26 =	sadd.s32 @!p0 s3, s26  }
0xa9: {  	[tilespmem:s29], [sflag:$0x3] =	stream.linear.gather @!p0 [hbm4b:s26+s28], $0x1900, $0x38;
	[tilespmem:$0x1DB00] =	vst v63  }
0xaa: {  	s1 =	sadd.s32 @!p0 s6, s1;
	s26 =	simm.s32 @!p0 $0x1CE80  }
0xab: {  	[tilespmem:s26], [sflag:$0x5] =	stream.linear.gather @!p0 [hbm4b:s1+s28], $0xC80, $0x38;
	[tilespmem:$0x1DB00] =	vst v63  }
0xac: {  	_ =	swait.ge [sflag:s15], $0x1900  }
0xad: {  	[sflag:s15] =	ssyncset.done $0x0  }
0xae: {  	[sflag:s15] =	ssyncadd.s32 $0xFFFFE700  }
0xaf: {  	_ =	swait.ge [sflag:s19], $0xC80  }
0xb0: {  	[sflag:s19] =	ssyncset.done $0x0  }
0xb1: {  	s31 =	simm.s32 $0x190F0;
	[sflag:s19] =	ssyncadd.s32 $0xFFFFF380  }
0xb2: {  	v1 =	vld [tilespmem:s31+$0x0]  }
0xb3: {  	v2 =	vld [tilespmem:s31+$0xFFFFFFA0]  }
0xb4: {  	s26 =	simm.s32 $0x1C240;
	v3 =	vld [tilespmem:s31+$0xFFFFFFB0]  }
0xb5: {  	v4 =	vld [tilespmem:s26+$0x30]  }
0xb6: {  	v5 =	vld [tilespmem:s31+$0xFFFFFFC0]  }
0xb7: {  	v6 =	vld [tilespmem:s31+$0xFFFFFFD0]  }
0xb8: {  	v7 =	vld [tilespmem:s31+$0xFFFFFFE0]  }
0xb9: {  	v8 =	vld [tilespmem:s31+$0xFFFFFFF0]  }
0xba: {  	v63 =	vld [tilespmem:s26+$0xFFFFFFC0]  }
0xbb: {  	v9 =	vld [tilespmem:s26+$0xFFFFFFD0]  }
0xbc: {  	v10 =	vld [tilespmem:s26+$0xFFFFFFE0]  }
0xbd: {  	v11 =	vld [tilespmem:s26+$0xFFFFFFF0]  }
0xbe: {  	v12 =	vld [tilespmem:s26+$0x0]  }
0xbf: {  	v13 =	vld [tilespmem:s26+$0x10]  }
0xc0: {  	[tilespmem:v1+s4+$0x0] =	vst.idx.add.f32.msk $0xffff, v4  }
0xc1: {  	v1 =	vld [tilespmem:s31+$0xFFFFFF90]  }
0xc2: {  	v14 =	vld [tilespmem:s26+$0x20]  }
0xc3: {  	[tilespmem:v2+s4+$0x0] =	vst.idx.add.f32.msk $0xffff, v9  }
0xc4: {  	[tilespmem:v3+s4+$0x0] =	vst.idx.add.f32.msk $0xffff, v10  }
0xc5: {  	[tilespmem:v5+s4+$0x0] =	vst.idx.add.f32.msk $0xffff, v11  }
0xc6: {  	[tilespmem:v6+s4+$0x0] =	vst.idx.add.f32.msk $0xffff, v12  }
0xc7: {  	[tilespmem:v7+s4+$0x0] =	vst.idx.add.f32.msk $0xffff, v13  }
0xc8: {  	[tilespmem:v8+s4+$0x0] =	vst.idx.add.f32.msk $0xffff, v14  }
0xc9: {  	s30 =	simm.s32 $0x191F0;
	s29 =	simm.s32 $0x0;
	s28 =	sshll.u32 s25, $0x1;
	[tilespmem:v1+s4+$0x0] =	vst.idx.add.f32.msk $0xffff, v63  }
.LBB2_13:
0xca: {  	v1 =	vld [tilespmem:s30+$0x0];
	s29 =	sadd.s32 $0x8, s29  }
0xcb: {  	v2 =	vld [tilespmem:s30+$0xFFFFFFA0];
	p1 =	slt.u32 s29, $0xC0  }
0xcc: {  	s26 =	sadd.s32 $0x80, s26;
	v3 =	vld [tilespmem:s30+$0xFFFFFFB0]  }
0xcd: {  	v4 =	vld [tilespmem:s26+$0x30]  }
0xce: {  	v5 =	vld [tilespmem:s30+$0xFFFFFFC0]  }
0xcf: {  	v6 =	vld [tilespmem:s30+$0xFFFFFFD0]  }
0xd0: {  	v7 =	vld [tilespmem:s30+$0xFFFFFFE0]  }
0xd1: {  	v8 =	vld [tilespmem:s30+$0xFFFFFFF0]  }
0xd2: {  	[tilespmem:v1+s4+$0x0] =	vst.idx.add.f32.msk $0xffff, v4  }
0xd3: {  	v1 =	vld [tilespmem:s30+$0xFFFFFF90]  }
0xd4: {  	v4 =	vld [tilespmem:s26+$0xFFFFFFC0]  }
0xd5: {  	v9 =	vld [tilespmem:s26+$0xFFFFFFD0]  }
0xd6: {  	v10 =	vld [tilespmem:s26+$0xFFFFFFE0]  }
0xd7: {  	v11 =	vld [tilespmem:s26+$0xFFFFFFF0]  }
0xd8: {  	v12 =	vld [tilespmem:s26+$0x0]  }
0xd9: {  	v13 =	vld [tilespmem:s26+$0x10]  }
0xda: {  	v14 =	vld [tilespmem:s26+$0x20]  }
0xdb: {  	[tilespmem:v1+s4+$0x0] =	vst.idx.add.f32.msk $0xffff, v4  }
0xdc: {  	[tilespmem:v2+s4+$0x0] =	vst.idx.add.f32.msk $0xffff, v9  }
.Ltmp11:
0xdd: {  	[tilespmem:v3+s4+$0x0] =	vst.idx.add.f32.msk $0xffff, v10;
	(pc) =	sbr.rel @p1 .LBB2_13-.Ltmp11, $4  }
0xde: {  	[tilespmem:v5+s4+$0x0] =	vst.idx.add.f32.msk $0xffff, v11  }
0xdf: {  	[tilespmem:v6+s4+$0x0] =	vst.idx.add.f32.msk $0xffff, v12  }
0xe0: {  	[tilespmem:v7+s4+$0x0] =	vst.idx.add.f32.msk $0xffff, v13  }
0xe1: {  	s30 =	sadd.s32 $0x100, s30;
	[tilespmem:v8+s4+$0x0] =	vst.idx.add.f32.msk $0xffff, v14  }
0xe2: {  	s1 =	sadd.s32 $0x2, s28  }
0xe3: {  	p1 =	sge.u32 s1, s7  }
0xe4: {  	s1 =	sshll.u32 @!p1 s1, $0x5  }
0xe5: {  	s1 =	sor.u32 @!p1 s2, s1  }
0xe6: {  	s26 =	smul.u32 @!p1 $0x320, s1  }
.Ltmp12:
0xe7: {  	s28 =	simm.s32 @!p1 $0x0;
	(pc) =	sbr.rel @p0 .LBB2_17-.Ltmp12, $4  }
0xe8: {  	s29 =	simm.s32 @!p1 $0x19000;
	s1 =	smul.u32 @!p1 $0x190, s1;
	s26 =	sadd.s32 @!p1 s3, s26  }
0xe9: {  	[tilespmem:s29], [sflag:$0x2] =	stream.linear.gather @!p1 [hbm4b:s26+s28], $0x1900, $0x38;
	[tilespmem:$0x1DB00] =	vst v63  }
0xea: {  	s1 =	sadd.s32 @!p1 s6, s1;
	s26 =	simm.s32 @!p1 $0x1C200  }
0xeb: {  	[tilespmem:s26], [sflag:$0x4] =	stream.linear.gather @!p1 [hbm4b:s1+s28], $0xC80, $0x38;
	[tilespmem:$0x1DB00] =	vst v63  }
0xec: {  	_ =	swait.ge [sflag:s17], $0x1900  }
0xed: {  	[sflag:s17] =	ssyncset.done $0x0  }
0xee: {  	[sflag:s17] =	ssyncadd.s32 $0xFFFFE700  }
0xef: {  	_ =	swait.ge [sflag:s20], $0xC80  }
0xf0: {  	[sflag:s20] =	ssyncset.done $0x0  }
0xf1: {  	s1 =	simm.s32 $0x1A9F0;
	[sflag:s20] =	ssyncadd.s32 $0xFFFFF380  }
0xf2: {  	v1 =	vld [tilespmem:s1+$0x0]  }
0xf3: {  	v2 =	vld [tilespmem:s1+$0xFFFFFFA0]  }
0xf4: {  	s26 =	simm.s32 $0x1CEC0;
	v3 =	vld [tilespmem:s1+$0xFFFFFFB0]  }
0xf5: {  	v4 =	vld [tilespmem:s26+$0x30]  }
0xf6: {  	v5 =	vld [tilespmem:s1+$0xFFFFFFC0]  }
0xf7: {  	v6 =	vld [tilespmem:s1+$0xFFFFFFD0]  }
0xf8: {  	v7 =	vld [tilespmem:s1+$0xFFFFFFE0]  }
0xf9: {  	v8 =	vld [tilespmem:s1+$0xFFFFFFF0]  }
0xfa: {  	v63 =	vld [tilespmem:s26+$0xFFFFFFC0]  }
0xfb: {  	v9 =	vld [tilespmem:s26+$0xFFFFFFD0]  }
0xfc: {  	v10 =	vld [tilespmem:s26+$0xFFFFFFE0]  }
0xfd: {  	v11 =	vld [tilespmem:s26+$0xFFFFFFF0]  }
0xfe: {  	v12 =	vld [tilespmem:s26+$0x0]  }
0xff: {  	v13 =	vld [tilespmem:s26+$0x10]  }
0x100: {  	[tilespmem:v1+s4+$0x0] =	vst.idx.add.f32.msk $0xffff, v4  }
0x101: {  	v1 =	vld [tilespmem:s1+$0xFFFFFF90]  }
0x102: {  	v14 =	vld [tilespmem:s26+$0x20]  }
0x103: {  	[tilespmem:v2+s4+$0x0] =	vst.idx.add.f32.msk $0xffff, v9  }
0x104: {  	[tilespmem:v3+s4+$0x0] =	vst.idx.add.f32.msk $0xffff, v10  }
0x105: {  	[tilespmem:v5+s4+$0x0] =	vst.idx.add.f32.msk $0xffff, v11  }
0x106: {  	[tilespmem:v6+s4+$0x0] =	vst.idx.add.f32.msk $0xffff, v12  }
0x107: {  	[tilespmem:v7+s4+$0x0] =	vst.idx.add.f32.msk $0xffff, v13  }
0x108: {  	[tilespmem:v8+s4+$0x0] =	vst.idx.add.f32.msk $0xffff, v14  }
0x109: {  	s28 =	simm.s32 $0x0;
	s29 =	simm.s32 $0x1AAF0;
	[tilespmem:v1+s4+$0x0] =	vst.idx.add.f32.msk $0xffff, v63  }
.LBB2_16:
0x10a: {  	v1 =	vld [tilespmem:s29+$0x0];
	s28 =	sadd.s32 $0x8, s28  }
0x10b: {  	v2 =	vld [tilespmem:s29+$0xFFFFFFA0];
	p0 =	slt.u32 s28, $0xC0  }
0x10c: {  	s26 =	sadd.s32 $0x80, s26;
	v3 =	vld [tilespmem:s29+$0xFFFFFFB0]  }
0x10d: {  	v4 =	vld [tilespmem:s26+$0x30]  }
0x10e: {  	v5 =	vld [tilespmem:s29+$0xFFFFFFC0]  }
0x10f: {  	v6 =	vld [tilespmem:s29+$0xFFFFFFD0]  }
0x110: {  	v7 =	vld [tilespmem:s29+$0xFFFFFFE0]  }
0x111: {  	v8 =	vld [tilespmem:s29+$0xFFFFFFF0]  }
0x112: {  	[tilespmem:v1+s4+$0x0] =	vst.idx.add.f32.msk $0xffff, v4  }
0x113: {  	v1 =	vld [tilespmem:s29+$0xFFFFFF90]  }
0x114: {  	v4 =	vld [tilespmem:s26+$0xFFFFFFC0]  }
0x115: {  	v9 =	vld [tilespmem:s26+$0xFFFFFFD0]  }
0x116: {  	v10 =	vld [tilespmem:s26+$0xFFFFFFE0]  }
0x117: {  	v11 =	vld [tilespmem:s26+$0xFFFFFFF0]  }
0x118: {  	v12 =	vld [tilespmem:s26+$0x0]  }
0x119: {  	v13 =	vld [tilespmem:s26+$0x10]  }
0x11a: {  	v14 =	vld [tilespmem:s26+$0x20]  }
0x11b: {  	[tilespmem:v1+s4+$0x0] =	vst.idx.add.f32.msk $0xffff, v4  }
0x11c: {  	[tilespmem:v2+s4+$0x0] =	vst.idx.add.f32.msk $0xffff, v9  }
.Ltmp13:
0x11d: {  	[tilespmem:v3+s4+$0x0] =	vst.idx.add.f32.msk $0xffff, v10;
	(pc) =	sbr.rel @p0 .LBB2_16-.Ltmp13, $4  }
0x11e: {  	[tilespmem:v5+s4+$0x0] =	vst.idx.add.f32.msk $0xffff, v11  }
0x11f: {  	[tilespmem:v6+s4+$0x0] =	vst.idx.add.f32.msk $0xffff, v12  }
0x120: {  	[tilespmem:v7+s4+$0x0] =	vst.idx.add.f32.msk $0xffff, v13  }
0x121: {  	s29 =	sadd.s32 $0x100, s29;
	[tilespmem:v8+s4+$0x0] =	vst.idx.add.f32.msk $0xffff, v14  }
.Ltmp14:
0x122: {  	_ = 	snop;
	(pc) =	sbr.rel .LBB2_17-.Ltmp14, $1  }
0x123: {  	_ =	sdelay $0x3  }
.LBB2_19:
0x124: {  	_ =	sfence.sel $0x180000  }
0x125: {  	[bflag:$0x0] =	sbarrier.arrive $0xFFFF  }
0x126: {  	_ =	strace $0x90000047  }
0x127: {  	[bflag:$0x2] =	sbarrier.arrive $0xFFFF  }
0x128: {  	p0 =	sne.s32 s0, $0x0;
	s0 =	rddreg [dreg:$0x2]  }
0x129: {  	s0 =	sadd.s32 @!p0 $0x100000, s0  }
0x12a: {  	[sflag:s0] =	ssyncadd.tile.s32 @!p0 $0x1;
	_ =	shalt  }
.Lfunc_end2:
_tile_overlayer_lowered:
.L_overlay_start_2:
0x12b: {  	(tag) =	ssettag $0x2  }
0x12c: {  	s0 =	rddreg [dreg:$0x0];
	s2 =	stileid.u32  }
0x12d: {  	s1 =	rddreg [dreg:$0x1];
	p0 =	sne.s32 s2, $0x0  }
0x12e: {  	s3 =	rddreg [dreg:$0x2];
	[bflag:$0x3] =	sbarrier.arrive $0xFFFF;
	s2 =	simm.s32 @!p0 $0x1C06  }
0x12f: {  	[timem:s3], [sflag:s2] =	dma.local @!p0 [hbm:s0], s1  }
0x130: {  	s0 =	simm.s32 @!p0 $0x6  }
0x131: {  	_ =	swait.ge @!p0 [sflag:s0], s1  }
0x132: {  	s1 =	ssub.s32 @!p0 $0x0, s1;
	[sflag:s0] =	ssyncset.done @!p0 $0x0  }
0x133: {  	[sflag:s0] =	ssyncadd.s32 @!p0 s1  }
0x134: {  	[bflag:$0x3] =	sbarrier.arrive $0xFFFF  }
0x135: {  	_ =	shalt  }

</sc_bundles>
